<compile_context>
chip_gen: v7x
topology: tpu7x:2x2x1
jax: 0.10.2.dev20260603
libtpu: 0.0.44.dev20260713+nightly
codegen_flags: <defaults>
</compile_context>

<pallas_src>
import functools

import jax
import jax.numpy as jnp
from jax import lax
from jax.experimental import pallas as pl
from jax.experimental.pallas import tpu as pltpu
from jax.experimental.pallas import tpu_sc as plsc

_N = 10000
_E = 320000
_D = 128

_CHUNK = 128
_NCH = _E // _CHUNK
_CPW = _NCH // 32
_XTRA = _NCH - 32 * _CPW
_ROWS_A = 624
_ROWS_LAST = _N - 15 * _ROWS_A


def _sc_segment_sum(edge_attr, edge_index, zeros):
  mesh = plsc.VectorSubcoreMesh(core_axis_name="c", subcore_axis_name="s")

  @functools.partial(
      pl.kernel,
      out_type=jax.ShapeDtypeStruct((2, _N, _D), jnp.float32),
      mesh=mesh,
      scratch_types=[
          pltpu.VMEM((3, _CHUNK, _D), jnp.float32),
          pltpu.VMEM((3, 2, _CHUNK), jnp.int32),
          pltpu.VMEM_SHARED((_N, _D), jnp.float32),
      ] + [pltpu.SemaphoreType.DMA] * 9,
  )
  def k(ea_hbm, col_hbm, z_hbm, out_hbm, rows_v, idx_v, acc_sh, *sems):
    cid = lax.axis_index("c")
    sid = lax.axis_index("s")
    r0 = pl.multiple_of(sid * _ROWS_A, 8)

    wid = sid * 2 + cid
    cbase = wid * _CPW
    gs = sems[0:3]
    isx = sems[3:6]
    ss = sems[6:9]

    def issue_gather(ci, b):
      base = pl.multiple_of(ci * _CHUNK, _CHUNK)
      pltpu.async_copy(ea_hbm.at[pl.ds(base, _CHUNK)], rows_v.at[b], gs[b])
      pltpu.async_copy(col_hbm.at[pl.ds(0, 2), pl.ds(base, _CHUNK)],
                       idx_v.at[b], isx[b])

    def wait_gather(b):
      pltpu.make_async_copy(ea_hbm.at[pl.ds(0, _CHUNK)],
                            rows_v.at[b], gs[b]).wait()
      pltpu.make_async_copy(col_hbm.at[pl.ds(0, 2), pl.ds(0, _CHUNK)],
                            idx_v.at[b], isx[b]).wait()

    def issue_scatter(b):
      pltpu.async_copy(rows_v.at[b], acc_sh.at[idx_v.at[b, 1]], ss[b],
                       add=True)

    def wait_scatter(b):
      pltpu.make_async_copy(rows_v.at[b], acc_sh.at[idx_v.at[b, 1]],
                            ss[b]).wait()

    def slot(ci, b, prefetch=True, wscatter=True):
      b2 = (b + 2) % 3
      wait_gather(b)
      if wscatter:
        wait_scatter(b2)
      issue_scatter(b)
      if prefetch:
        issue_gather(ci + 2, b2)

    issue_gather(cbase, 0)
    issue_gather(cbase + 1, 1)

    @pl.when(sid < 15)
    def _():
      pltpu.sync_copy(z_hbm.at[pl.ds(0, _ROWS_A)],
                      acc_sh.at[pl.ds(r0, _ROWS_A)])

    @pl.when(sid == 15)
    def _():
      pltpu.sync_copy(z_hbm, acc_sh.at[pl.ds(15 * _ROWS_A, _ROWS_LAST)])

    plsc.subcore_barrier()

    slot(cbase, 0, wscatter=False)
    slot(cbase + 1, 1)

    def tri(p, carry):
      c0 = cbase + 3 * p + 2
      for j, b in enumerate((2, 0, 1)):
        slot(c0 + j, b)
      return carry

    lax.fori_loop(0, (_CPW - 2) // 3, tri, 0)
    slot(cbase + _CPW - 1, (_CPW - 1) % 3, prefetch=False)
    wait_gather(_CPW % 3)

    @pl.when(wid < _XTRA)
    def _():
      b = _CPW % 3
      issue_gather(32 * _CPW + wid, b)
      wait_gather(b)
      wait_scatter((_CPW - 1) % 3)
      issue_scatter(b)
      wait_scatter(b)

    @pl.when(wid >= _XTRA)
    def _():
      wait_scatter((_CPW - 1) % 3)

    plsc.subcore_barrier()

    @pl.when(sid < 15)
    def _():
      pltpu.sync_copy(acc_sh.at[pl.ds(r0, _ROWS_A)],
                      out_hbm.at[cid, pl.ds(r0, _ROWS_A)])

    @pl.when(sid == 15)
    def _():
      pltpu.sync_copy(acc_sh.at[pl.ds(15 * _ROWS_A, _ROWS_LAST)],
                      out_hbm.at[cid, pl.ds(15 * _ROWS_A, _ROWS_LAST)])

  return k(edge_attr, edge_index, zeros)


_R = 5000


def _dott(a, w):
  return lax.dot_general(a, w, (((1,), (1,)), ((), ())),
                         preferred_element_type=jnp.float32)


def _tc_mlp(x, parts, W0, b0, W1, b1, W2, b2, W3, b3, ln_g, ln_b):
  def body(x_ref, p0_ref, p1_ref, w0_ref, w1_ref, w2_ref, w3_ref,
           b0_ref, b1_ref, b2_ref, b3_ref, g_ref, bb_ref, o_ref):
    agg = p0_ref[0] + p1_ref[0]
    w0 = w0_ref[...]
    h = _dott(x_ref[...], w0[:, :_D]) + _dott(agg, w0[:, _D:])
    h = jnp.maximum(h + b0_ref[...], 0.0)
    h = jnp.maximum(_dott(h, w1_ref[...]) + b1_ref[...], 0.0)
    h = jnp.maximum(_dott(h, w2_ref[...]) + b2_ref[...], 0.0)
    h = _dott(h, w3_ref[...]) + b3_ref[...]
    mu = jnp.mean(h, axis=-1, keepdims=True)
    c = h - mu
    var = jnp.mean(c * c, axis=-1, keepdims=True)
    o_ref[...] = g_ref[...] * c * lax.rsqrt(var + 1e-5) + bb_ref[...]

  def rows(nc):
    return pl.BlockSpec((_R, nc), lambda i: (i, 0))

  def part(j):
    return pl.BlockSpec((1, _R, _D), lambda i, j=j: (j, i, 0))

  def full(s):
    return pl.BlockSpec(s, lambda i: (0,) * len(s))

  return pl.pallas_call(
      body,
      grid=(_N // _R,),
      in_specs=[rows(_D), part(0), part(1),
                full((256, 256)), full((256, 256)), full((256, 256)),
                full((_D, 256)),
                full((1, 256)), full((1, 256)), full((1, 256)),
                full((1, _D)), full((1, _D)), full((1, _D))],
      out_specs=rows(_D),
      out_shape=jax.ShapeDtypeStruct((_N, _D), jnp.float32),
  )(x, parts, parts, W0, W1, W2, W3,
    b0[None, :], b1[None, :], b2[None, :], b3[None, :],
    ln_g[None, :], ln_b[None, :])


def kernel(x, edge_index, edge_attr, u, batch,
           W0, b0, W1, b1, W2, b2, W3, b3, ln_g, ln_b):
  del u, batch
  zeros = jnp.zeros((_ROWS_LAST, _D), jnp.float32)
  parts = _sc_segment_sum(edge_attr, edge_index, zeros)
  return _tc_mlp(x, parts, W0, b0, W1, b1, W2, b2, W3, b3, ln_g, ln_b)

# --- scband reference (transcript-rebuilt; emitter-appended) ---
"""Pipeline reference for scband-node-update-47218870453042 (READ-ONLY COPY).

The authoritative reference and input builder live on the scoring server;
editing this copy changes nothing except your own understanding.
"""

import jax, jax.numpy as jnp
import numpy as np

N = 10000
E = 320000
D = 128
H = 256
OUT = 128


def _layer_norm(h, g, b, eps=1e-5):
    mu = jnp.mean(h, axis=-1, keepdims=True)
    var = jnp.mean((h - mu) ** 2, axis=-1, keepdims=True)
    return g * (h - mu) / jnp.sqrt(var + eps) + b


def setup_inputs(seed: int = 0) -> dict:
    key = jax.random.key(seed)
    ks = jax.random.split(key, 16)
    x = jax.random.normal(ks[0], (N, D), dtype=jnp.float32)
    edge_index = jax.random.randint(ks[1], (2, E), 0, N, dtype=jnp.int32)
    edge_attr = jax.random.normal(ks[2], (E, D), dtype=jnp.float32)
    u = jnp.zeros((1, D), dtype=jnp.float32)
    batch = jnp.zeros((N,), dtype=jnp.int32)
    W0 = jax.random.normal(ks[3], (H, 2 * D), dtype=jnp.float32) * 0.05
    b0 = jnp.zeros((H,), dtype=jnp.float32)
    W1 = jax.random.normal(ks[4], (H, H), dtype=jnp.float32) * 0.05
    b1 = jnp.zeros((H,), dtype=jnp.float32)
    W2 = jax.random.normal(ks[5], (H, H), dtype=jnp.float32) * 0.05
    b2 = jnp.zeros((H,), dtype=jnp.float32)
    W3 = jax.random.normal(ks[6], (OUT, H), dtype=jnp.float32) * 0.05
    b3 = jnp.zeros((OUT,), dtype=jnp.float32)
    ln_g = jnp.ones((OUT,), dtype=jnp.float32)
    ln_b = jnp.zeros((OUT,), dtype=jnp.float32)
    return {"x": x, "edge_index": edge_index, "edge_attr": edge_attr, "u": u,
            "batch": batch, "W0": W0, "b0": b0, "W1": W1, "b1": b1,
            "W2": W2, "b2": b2, "W3": W3, "b3": b3, "ln_g": ln_g, "ln_b": ln_b}


def reference(x, edge_index, edge_attr, u, batch, W0, b0, W1, b1, W2, b2, W3, b3, ln_g, ln_b):
    col = edge_index[1]
    agg = jax.ops.segment_sum(edge_attr, col, num_segments=x.shape[0])
    h = jnp.concatenate([x, agg], axis=1)
    h = jax.nn.relu(h @ W0.T + b0)
    h = jax.nn.relu(h @ W1.T + b1)
    h = jax.nn.relu(h @ W2.T + b2)
    h = h @ W3.T + b3
    return _layer_norm(h, ln_g, ln_b)

if __name__ == "__main__":
    import jax
    _d = setup_inputs()
    print(jax.jit(kernel)(*tuple(_d.values())))

</pallas_src>

<mosaic_0001>
#map = affine_map<(d0, d1) -> (0, 0)>
#map1 = affine_map<(d0, d1) -> (0, 0, 0)>
module attributes {stable_mosaic.version = 14 : i64} {
  func.func @k(%arg0: i32, %arg1: i32, %arg2: memref<320000x128xf32, #tpu.memory_space<hbm>>, %arg3: memref<2x320000xi32, #tpu.memory_space<hbm>>, %arg4: memref<640x128xf32, #tpu.memory_space<hbm>>, %arg5: memref<2x10000x128xf32, #tpu.memory_space<hbm>>, %arg6: memref<3x128x128xf32, #tpu.memory_space<vmem>>, %arg7: memref<3x2x128xi32, #tpu.memory_space<vmem>>, %arg8: memref<10000x128xf32, #tpu.memory_space<vmem_shared>>, %arg9: memref<!tpu.dma_semaphore, #tpu.memory_space<semaphore_mem>>, %arg10: memref<!tpu.dma_semaphore, #tpu.memory_space<semaphore_mem>>, %arg11: memref<!tpu.dma_semaphore, #tpu.memory_space<semaphore_mem>>, %arg12: memref<!tpu.dma_semaphore, #tpu.memory_space<semaphore_mem>>, %arg13: memref<!tpu.dma_semaphore, #tpu.memory_space<semaphore_mem>>, %arg14: memref<!tpu.dma_semaphore, #tpu.memory_space<semaphore_mem>>, %arg15: memref<!tpu.dma_semaphore, #tpu.memory_space<semaphore_mem>>, %arg16: memref<!tpu.dma_semaphore, #tpu.memory_space<semaphore_mem>>, %arg17: memref<!tpu.dma_semaphore, #tpu.memory_space<semaphore_mem>>) attributes {dimension_semantics = [#tpu.dimension_semantics<core_parallel>, #tpu.dimension_semantics<subcore_parallel>], iteration_bounds = array<i64: 2, 16>, scalar_prefetch = 0 : i64, scratch_operands = 12 : i64, tpu.core_type = #tpu.core_type<sc_vector_subcore>, window_params = [{transform_indices = #map}, {transform_indices = #map}, {transform_indices = #map}, {transform_indices = #map1}]} {
    %mul3A = arith.constant 624 : i32
    %mul3A_0 = arith.muli %arg1, %mul3A : i32
    %multiple_of3A = tpu.assume_multiple %mul3A_0, 8 : i32
    %mul3A_1 = arith.constant 2 : i32
    %mul3A_2 = arith.muli %arg1, %mul3A_1 : i32
    %add3A = arith.addi %mul3A_2, %arg0 : i32
    %mul3A_3 = arith.constant 78 : i32
    %mul3A_4 = arith.muli %add3A, %mul3A_3 : i32
    %mul3A_5 = arith.constant 128 : i32
    %mul3A_6 = arith.muli %mul3A_4, %mul3A_5 : i32
    %multiple_of3A_7 = tpu.assume_multiple %mul3A_6, 128 : i32
    %dma_start3A = arith.constant 0 : i32
    %dma_start3A_8 = arith.constant 0 : i32
    %dma_start3A_9 = arith.constant 0 : i32
    %dma_start3A_10 = tpu.memref_slice %arg6[%dma_start3A, %dma_start3A_8, %dma_start3A_9] : memref<3x128x128xf32, #tpu.memory_space<vmem>> -> memref<1x128x128xf32, #tpu.memory_space<vmem>>
    %dma_start3A_11 = tpu.memref_squeeze %dma_start3A_10 : memref<1x128x128xf32, #tpu.memory_space<vmem>> -> memref<128x128xf32, #tpu.memory_space<vmem>>
    %dma_start3A_12 = arith.constant 0 : i32
    %dma_start3A_13 = tpu.memref_slice %arg2[%multiple_of3A_7, %dma_start3A_12] : memref<320000x128xf32, #tpu.memory_space<hbm>> -> memref<128x128xf32, #tpu.memory_space<hbm>>
    %dma_start3A_14 = arith.constant 0 : i32
    %dma_start3A_15 = arith.constant 0 : i32
    %dma_start3A_16 = tpu.memref_slice %arg6[%dma_start3A, %dma_start3A_14, %dma_start3A_15] : memref<3x128x128xf32, #tpu.memory_space<vmem>> -> memref<1x128x128xf32, #tpu.memory_space<vmem>>
    %dma_start3A_17 = tpu.memref_squeeze %dma_start3A_16 : memref<1x128x128xf32, #tpu.memory_space<vmem>> -> memref<128x128xf32, #tpu.memory_space<vmem>>
    %dma_start3A_18 = arith.constant 0 : i32
    %dma_start3A_19 = tpu.memref_slice %arg2[%multiple_of3A_7, %dma_start3A_18] : memref<320000x128xf32, #tpu.memory_space<hbm>> -> memref<128x128xf32, #tpu.memory_space<hbm>>
    tpu.enqueue_dma source(%dma_start3A_19 : memref<128x128xf32, #tpu.memory_space<hbm>>) target(%dma_start3A_17 : memref<128x128xf32, #tpu.memory_space<vmem>>) target_semaphore(%arg9 : memref<!tpu.dma_semaphore, #tpu.memory_space<semaphore_mem>>)
    %dma_start3A_20 = arith.constant 0 : i32
    %dma_start3A_21 = arith.constant 0 : i32
    %dma_start3A_22 = arith.constant 0 : i32
    %dma_start3A_23 = tpu.memref_slice %arg7[%dma_start3A_20, %dma_start3A_21, %dma_start3A_22] : memref<3x2x128xi32, #tpu.memory_space<vmem>> -> memref<1x2x128xi32, #tpu.memory_space<vmem>>
    %dma_start3A_24 = tpu.memref_squeeze %dma_start3A_23 : memref<1x2x128xi32, #tpu.memory_space<vmem>> -> memref<2x128xi32, #tpu.memory_space<vmem>>
    %dma_start3A_25 = arith.constant 0 : i32
    %dma_start3A_26 = tpu.memref_slice %arg3[%dma_start3A_25, %multiple_of3A_7] : memref<2x320000xi32, #tpu.memory_space<hbm>> -> memref<2x128xi32, #tpu.memory_space<hbm>>
    %dma_start3A_27 = arith.constant 0 : i32
    %dma_start3A_28 = arith.constant 0 : i32
    %dma_start3A_29 = tpu.memref_slice %arg7[%dma_start3A_20, %dma_start3A_27, %dma_start3A_28] : memref<3x2x128xi32, #tpu.memory_space<vmem>> -> memref<1x2x128xi32, #tpu.memory_space<vmem>>
    %dma_start3A_30 = tpu.memref_squeeze %dma_start3A_29 : memref<1x2x128xi32, #tpu.memory_space<vmem>> -> memref<2x128xi32, #tpu.memory_space<vmem>>
    %dma_start3A_31 = arith.constant 0 : i32
    %dma_start3A_32 = tpu.memref_slice %arg3[%dma_start3A_31, %multiple_of3A_7] : memref<2x320000xi32, #tpu.memory_space<hbm>> -> memref<2x128xi32, #tpu.memory_space<hbm>>
    tpu.enqueue_dma source(%dma_start3A_32 : memref<2x128xi32, #tpu.memory_space<hbm>>) target(%dma_start3A_30 : memref<2x128xi32, #tpu.memory_space<vmem>>) target_semaphore(%arg12 : memref<!tpu.dma_semaphore, #tpu.memory_space<semaphore_mem>>)
    %add3A_33 = arith.constant 1 : i32
    %add3A_34 = arith.addi %mul3A_4, %add3A_33 : i32
    %mul3A_35 = arith.constant 128 : i32
    %mul3A_36 = arith.muli %add3A_34, %mul3A_35 : i32
    %multiple_of3A_37 = tpu.assume_multiple %mul3A_36, 128 : i32
    %dma_start3A_38 = arith.constant 1 : i32
    %dma_start3A_39 = arith.constant 0 : i32
    %dma_start3A_40 = arith.constant 0 : i32
    %dma_start3A_41 = tpu.memref_slice %arg6[%dma_start3A_38, %dma_start3A_39, %dma_start3A_40] : memref<3x128x128xf32, #tpu.memory_space<vmem>> -> memref<1x128x128xf32, #tpu.memory_space<vmem>>
    %dma_start3A_42 = tpu.memref_squeeze %dma_start3A_41 : memref<1x128x128xf32, #tpu.memory_space<vmem>> -> memref<128x128xf32, #tpu.memory_space<vmem>>
    %dma_start3A_43 = arith.constant 0 : i32
    %dma_start3A_44 = tpu.memref_slice %arg2[%multiple_of3A_37, %dma_start3A_43] : memref<320000x128xf32, #tpu.memory_space<hbm>> -> memref<128x128xf32, #tpu.memory_space<hbm>>
    %dma_start3A_45 = arith.constant 0 : i32
    %dma_start3A_46 = arith.constant 0 : i32
    %dma_start3A_47 = tpu.memref_slice %arg6[%dma_start3A_38, %dma_start3A_45, %dma_start3A_46] : memref<3x128x128xf32, #tpu.memory_space<vmem>> -> memref<1x128x128xf32, #tpu.memory_space<vmem>>
    %dma_start3A_48 = tpu.memref_squeeze %dma_start3A_47 : memref<1x128x128xf32, #tpu.memory_space<vmem>> -> memref<128x128xf32, #tpu.memory_space<vmem>>
    %dma_start3A_49 = arith.constant 0 : i32
    %dma_start3A_50 = tpu.memref_slice %arg2[%multiple_of3A_37, %dma_start3A_49] : memref<320000x128xf32, #tpu.memory_space<hbm>> -> memref<128x128xf32, #tpu.memory_space<hbm>>
    tpu.enqueue_dma source(%dma_start3A_50 : memref<128x128xf32, #tpu.memory_space<hbm>>) target(%dma_start3A_48 : memref<128x128xf32, #tpu.memory_space<vmem>>) target_semaphore(%arg10 : memref<!tpu.dma_semaphore, #tpu.memory_space<semaphore_mem>>)
    %dma_start3A_51 = arith.constant 1 : i32
    %dma_start3A_52 = arith.constant 0 : i32
    %dma_start3A_53 = arith.constant 0 : i32
    %dma_start3A_54 = tpu.memref_slice %arg7[%dma_start3A_51, %dma_start3A_52, %dma_start3A_53] : memref<3x2x128xi32, #tpu.memory_space<vmem>> -> memref<1x2x128xi32, #tpu.memory_space<vmem>>
    %dma_start3A_55 = tpu.memref_squeeze %dma_start3A_54 : memref<1x2x128xi32, #tpu.memory_space<vmem>> -> memref<2x128xi32, #tpu.memory_space<vmem>>
    %dma_start3A_56 = arith.constant 0 : i32
    %dma_start3A_57 = tpu.memref_slice %arg3[%dma_start3A_56, %multiple_of3A_37] : memref<2x320000xi32, #tpu.memory_space<hbm>> -> memref<2x128xi32, #tpu.memory_space<hbm>>
    %dma_start3A_58 = arith.constant 0 : i32
    %dma_start3A_59 = arith.constant 0 : i32
    %dma_start3A_60 = tpu.memref_slice %arg7[%dma_start3A_51, %dma_start3A_58, %dma_start3A_59] : memref<3x2x128xi32, #tpu.memory_space<vmem>> -> memref<1x2x128xi32, #tpu.memory_space<vmem>>
    %dma_start3A_61 = tpu.memref_squeeze %dma_start3A_60 : memref<1x2x128xi32, #tpu.memory_space<vmem>> -> memref<2x128xi32, #tpu.memory_space<vmem>>
    %dma_start3A_62 = arith.constant 0 : i32
    %dma_start3A_63 = tpu.memref_slice %arg3[%dma_start3A_62, %multiple_of3A_37] : memref<2x320000xi32, #tpu.memory_space<hbm>> -> memref<2x128xi32, #tpu.memory_space<hbm>>
    tpu.enqueue_dma source(%dma_start3A_63 : memref<2x128xi32, #tpu.memory_space<hbm>>) target(%dma_start3A_61 : memref<2x128xi32, #tpu.memory_space<vmem>>) target_semaphore(%arg13 : memref<!tpu.dma_semaphore, #tpu.memory_space<semaphore_mem>>)
    %lt3A = arith.constant 15 : i32
    %lt3A_64 = arith.cmpi slt, %arg1, %lt3A : i32
    %convert_element_type3A = arith.extui %lt3A_64 : i1 to i32
    %cond3A = arith.constant 0 : i32
    %cond3A_65 = arith.cmpi ne, %convert_element_type3A, %cond3A : i32
    scf.if %cond3A_65 {
      "tpu.region"() ({
        %run_scoped3A = tpu.sem_alloc : memref<!tpu.dma_semaphore, #tpu.memory_space<semaphore_mem>>
        %dma_start3A_346 = arith.constant 0 : i32
        %dma_start3A_347 = tpu.memref_slice %arg8[%multiple_of3A, %dma_start3A_346] : memref<10000x128xf32, #tpu.memory_space<vmem_shared>> -> memref<624x128xf32, #tpu.memory_space<vmem_shared>>
        %dma_start3A_348 = arith.constant 0 : i32
        %dma_start3A_349 = arith.constant 0 : i32
        %dma_start3A_350 = tpu.memref_slice %arg4[%dma_start3A_348, %dma_start3A_349] : memref<640x128xf32, #tpu.memory_space<hbm>> -> memref<624x128xf32, #tpu.memory_space<hbm>>
        tpu.enqueue_dma source(%dma_start3A_350 : memref<624x128xf32, #tpu.memory_space<hbm>>) target(%dma_start3A_347 : memref<624x128xf32, #tpu.memory_space<vmem_shared>>) target_semaphore(%run_scoped3A : memref<!tpu.dma_semaphore, #tpu.memory_space<semaphore_mem>>)
        %dma_wait3A_351 = arith.constant 0 : i32
        %dma_wait3A_352 = tpu.memref_slice %arg8[%multiple_of3A, %dma_wait3A_351] : memref<10000x128xf32, #tpu.memory_space<vmem_shared>> -> memref<624x128xf32, #tpu.memory_space<vmem_shared>>
        %dma_wait3A_353 = arith.constant 0 : i32
        %dma_wait3A_354 = arith.constant 0 : i32
        %dma_wait3A_355 = tpu.memref_slice %arg4[%dma_wait3A_353, %dma_wait3A_354] : memref<640x128xf32, #tpu.memory_space<hbm>> -> memref<624x128xf32, #tpu.memory_space<hbm>>
        tpu.wait_dma2 semaphore(%run_scoped3A : memref<!tpu.dma_semaphore, #tpu.memory_space<semaphore_mem>>) src(%dma_wait3A_355 : memref<624x128xf32, #tpu.memory_space<hbm>>) dst(%dma_wait3A_352 : memref<624x128xf32, #tpu.memory_space<vmem_shared>>)
        tpu.yield
      }) : () -> ()
    } else {
    }
    %eq3A = arith.constant 15 : i32
    %eq3A_66 = arith.cmpi eq, %arg1, %eq3A : i32
    %convert_element_type3A_67 = arith.extui %eq3A_66 : i1 to i32
    %cond3A_68 = arith.constant 0 : i32
    %cond3A_69 = arith.cmpi ne, %convert_element_type3A_67, %cond3A_68 : i32
    scf.if %cond3A_69 {
      "tpu.region"() ({
        %run_scoped3A = tpu.sem_alloc : memref<!tpu.dma_semaphore, #tpu.memory_space<semaphore_mem>>
        %dma_start3A_346 = arith.constant 9360 : i32
        %dma_start3A_347 = arith.constant 0 : i32
        %dma_start3A_348 = tpu.memref_slice %arg8[%dma_start3A_346, %dma_start3A_347] : memref<10000x128xf32, #tpu.memory_space<vmem_shared>> -> memref<640x128xf32, #tpu.memory_space<vmem_shared>>
        tpu.enqueue_dma source(%arg4 : memref<640x128xf32, #tpu.memory_space<hbm>>) target(%dma_start3A_348 : memref<640x128xf32, #tpu.memory_space<vmem_shared>>) target_semaphore(%run_scoped3A : memref<!tpu.dma_semaphore, #tpu.memory_space<semaphore_mem>>)
        %dma_wait3A_349 = arith.constant 9360 : i32
        %dma_wait3A_350 = arith.constant 0 : i32
        %dma_wait3A_351 = tpu.memref_slice %arg8[%dma_wait3A_349, %dma_wait3A_350] : memref<10000x128xf32, #tpu.memory_space<vmem_shared>> -> memref<640x128xf32, #tpu.memory_space<vmem_shared>>
        tpu.wait_dma2 semaphore(%run_scoped3A : memref<!tpu.dma_semaphore, #tpu.memory_space<semaphore_mem>>) src(%arg4 : memref<640x128xf32, #tpu.memory_space<hbm>>) dst(%dma_wait3A_351 : memref<640x128xf32, #tpu.memory_space<vmem_shared>>)
        tpu.yield
      }) : () -> ()
    } else {
    }
    %barrier3A = arith.constant 0 : index
    tpu.barrier barrier_id(%barrier3A)
    %dma_wait3A = arith.constant 0 : i32
    %dma_wait3A_70 = arith.constant 0 : i32
    %dma_wait3A_71 = arith.constant 0 : i32
    %dma_wait3A_72 = tpu.memref_slice %arg6[%dma_wait3A, %dma_wait3A_70, %dma_wait3A_71] : memref<3x128x128xf32, #tpu.memory_space<vmem>> -> memref<1x128x128xf32, #tpu.memory_space<vmem>>
    %dma_wait3A_73 = tpu.memref_squeeze %dma_wait3A_72 : memref<1x128x128xf32, #tpu.memory_space<vmem>> -> memref<128x128xf32, #tpu.memory_space<vmem>>
    %dma_wait3A_74 = arith.constant 0 : i32
    %dma_wait3A_75 = arith.constant 0 : i32
    %dma_wait3A_76 = tpu.memref_slice %arg2[%dma_wait3A_74, %dma_wait3A_75] : memref<320000x128xf32, #tpu.memory_space<hbm>> -> memref<128x128xf32, #tpu.memory_space<hbm>>
    %dma_wait3A_77 = arith.constant 0 : i32
    %dma_wait3A_78 = arith.constant 0 : i32
    %dma_wait3A_79 = tpu.memref_slice %arg6[%dma_wait3A, %dma_wait3A_77, %dma_wait3A_78] : memref<3x128x128xf32, #tpu.memory_space<vmem>> -> memref<1x128x128xf32, #tpu.memory_space<vmem>>
    %dma_wait3A_80 = tpu.memref_squeeze %dma_wait3A_79 : memref<1x128x128xf32, #tpu.memory_space<vmem>> -> memref<128x128xf32, #tpu.memory_space<vmem>>
    %dma_wait3A_81 = arith.constant 0 : i32
    %dma_wait3A_82 = arith.constant 0 : i32
    %dma_wait3A_83 = tpu.memref_slice %arg2[%dma_wait3A_81, %dma_wait3A_82] : memref<320000x128xf32, #tpu.memory_space<hbm>> -> memref<128x128xf32, #tpu.memory_space<hbm>>
    tpu.wait_dma2 semaphore(%arg9 : memref<!tpu.dma_semaphore, #tpu.memory_space<semaphore_mem>>) src(%dma_wait3A_83 : memref<128x128xf32, #tpu.memory_space<hbm>>) dst(%dma_wait3A_80 : memref<128x128xf32, #tpu.memory_space<vmem>>)
    %dma_wait3A_84 = arith.constant 0 : i32
    %dma_wait3A_85 = arith.constant 0 : i32
    %dma_wait3A_86 = arith.constant 0 : i32
    %dma_wait3A_87 = tpu.memref_slice %arg7[%dma_wait3A_84, %dma_wait3A_85, %dma_wait3A_86] : memref<3x2x128xi32, #tpu.memory_space<vmem>> -> memref<1x2x128xi32, #tpu.memory_space<vmem>>
    %dma_wait3A_88 = tpu.memref_squeeze %dma_wait3A_87 : memref<1x2x128xi32, #tpu.memory_space<vmem>> -> memref<2x128xi32, #tpu.memory_space<vmem>>
    %dma_wait3A_89 = arith.constant 0 : i32
    %dma_wait3A_90 = arith.constant 0 : i32
    %dma_wait3A_91 = tpu.memref_slice %arg3[%dma_wait3A_89, %dma_wait3A_90] : memref<2x320000xi32, #tpu.memory_space<hbm>> -> memref<2x128xi32, #tpu.memory_space<hbm>>
    %dma_wait3A_92 = arith.constant 0 : i32
    %dma_wait3A_93 = arith.constant 0 : i32
    %dma_wait3A_94 = tpu.memref_slice %arg7[%dma_wait3A_84, %dma_wait3A_92, %dma_wait3A_93] : memref<3x2x128xi32, #tpu.memory_space<vmem>> -> memref<1x2x128xi32, #tpu.memory_space<vmem>>
    %dma_wait3A_95 = tpu.memref_squeeze %dma_wait3A_94 : memref<1x2x128xi32, #tpu.memory_space<vmem>> -> memref<2x128xi32, #tpu.memory_space<vmem>>
    %dma_wait3A_96 = arith.constant 0 : i32
    %dma_wait3A_97 = arith.constant 0 : i32
    %dma_wait3A_98 = tpu.memref_slice %arg3[%dma_wait3A_96, %dma_wait3A_97] : memref<2x320000xi32, #tpu.memory_space<hbm>> -> memref<2x128xi32, #tpu.memory_space<hbm>>
    tpu.wait_dma2 semaphore(%arg12 : memref<!tpu.dma_semaphore, #tpu.memory_space<semaphore_mem>>) src(%dma_wait3A_98 : memref<2x128xi32, #tpu.memory_space<hbm>>) dst(%dma_wait3A_95 : memref<2x128xi32, #tpu.memory_space<vmem>>)
    %dma_start3A_99 = arith.constant 0 : i32
    %dma_start3A_100 = arith.constant 0 : i32
    %dma_start3A_101 = arith.constant 1 : i32
    %dma_start3A_102 = arith.constant 0 : i32
    %dma_start3A_103 = arith.constant 0 : i32
    %dma_start3A_104 = tpu.memref_slice %arg6[%dma_start3A_99, %dma_start3A_102, %dma_start3A_103] : memref<3x128x128xf32, #tpu.memory_space<vmem>> -> memref<1x128x128xf32, #tpu.memory_space<vmem>>
    %dma_start3A_105 = tpu.memref_squeeze %dma_start3A_104 : memref<1x128x128xf32, #tpu.memory_space<vmem>> -> memref<128x128xf32, #tpu.memory_space<vmem>>
    %dma_start3A_106 = arith.constant 0 : i32
    %dma_start3A_107 = tpu.memref_slice %arg7[%dma_start3A_100, %dma_start3A_101, %dma_start3A_106] : memref<3x2x128xi32, #tpu.memory_space<vmem>> -> memref<1x1x128xi32, #tpu.memory_space<vmem>>
    %dma_start3A_108 = tpu.memref_squeeze %dma_start3A_107 : memref<1x1x128xi32, #tpu.memory_space<vmem>> -> memref<128xi32, #tpu.memory_space<vmem>>
    %dma_start3A_109 = arith.constant 0 : i32
    %dma_start3A_110 = arith.constant 0 : i32
    %dma_start3A_111 = tpu.memref_slice %arg8[%dma_start3A_109, %dma_start3A_110] : memref<10000x128xf32, #tpu.memory_space<vmem_shared>> -> memref<10000x128xf32, #tpu.memory_space<vmem_shared>>
    tpu.enqueue_indirect_dma source(%dma_start3A_105 : memref<128x128xf32, #tpu.memory_space<vmem>>) target(%dma_start3A_111 : memref<10000x128xf32, #tpu.memory_space<vmem_shared>>) offsets(%dma_start3A_108 : memref<128xi32, #tpu.memory_space<vmem>>) semaphore(%arg15 : memref<!tpu.dma_semaphore, #tpu.memory_space<semaphore_mem>>) {add = true}
    %add3A_112 = arith.constant 2 : i32
    %add3A_113 = arith.addi %mul3A_4, %add3A_112 : i32
    %mul3A_114 = arith.constant 128 : i32
    %mul3A_115 = arith.muli %add3A_113, %mul3A_114 : i32
    %multiple_of3A_116 = tpu.assume_multiple %mul3A_115, 128 : i32
    %dma_start3A_117 = arith.constant 2 : i32
    %dma_start3A_118 = arith.constant 0 : i32
    %dma_start3A_119 = arith.constant 0 : i32
    %dma_start3A_120 = tpu.memref_slice %arg6[%dma_start3A_117, %dma_start3A_118, %dma_start3A_119] : memref<3x128x128xf32, #tpu.memory_space<vmem>> -> memref<1x128x128xf32, #tpu.memory_space<vmem>>
    %dma_start3A_121 = tpu.memref_squeeze %dma_start3A_120 : memref<1x128x128xf32, #tpu.memory_space<vmem>> -> memref<128x128xf32, #tpu.memory_space<vmem>>
    %dma_start3A_122 = arith.constant 0 : i32
    %dma_start3A_123 = tpu.memref_slice %arg2[%multiple_of3A_116, %dma_start3A_122] : memref<320000x128xf32, #tpu.memory_space<hbm>> -> memref<128x128xf32, #tpu.memory_space<hbm>>
    %dma_start3A_124 = arith.constant 0 : i32
    %dma_start3A_125 = arith.constant 0 : i32
    %dma_start3A_126 = tpu.memref_slice %arg6[%dma_start3A_117, %dma_start3A_124, %dma_start3A_125] : memref<3x128x128xf32, #tpu.memory_space<vmem>> -> memref<1x128x128xf32, #tpu.memory_space<vmem>>
    %dma_start3A_127 = tpu.memref_squeeze %dma_start3A_126 : memref<1x128x128xf32, #tpu.memory_space<vmem>> -> memref<128x128xf32, #tpu.memory_space<vmem>>
    %dma_start3A_128 = arith.constant 0 : i32
    %dma_start3A_129 = tpu.memref_slice %arg2[%multiple_of3A_116, %dma_start3A_128] : memref<320000x128xf32, #tpu.memory_space<hbm>> -> memref<128x128xf32, #tpu.memory_space<hbm>>
    tpu.enqueue_dma source(%dma_start3A_129 : memref<128x128xf32, #tpu.memory_space<hbm>>) target(%dma_start3A_127 : memref<128x128xf32, #tpu.memory_space<vmem>>) target_semaphore(%arg11 : memref<!tpu.dma_semaphore, #tpu.memory_space<semaphore_mem>>)
    %dma_start3A_130 = arith.constant 2 : i32
    %dma_start3A_131 = arith.constant 0 : i32
    %dma_start3A_132 = arith.constant 0 : i32
    %dma_start3A_133 = tpu.memref_slice %arg7[%dma_start3A_130, %dma_start3A_131, %dma_start3A_132] : memref<3x2x128xi32, #tpu.memory_space<vmem>> -> memref<1x2x128xi32, #tpu.memory_space<vmem>>
    %dma_start3A_134 = tpu.memref_squeeze %dma_start3A_133 : memref<1x2x128xi32, #tpu.memory_space<vmem>> -> memref<2x128xi32, #tpu.memory_space<vmem>>
    %dma_start3A_135 = arith.constant 0 : i32
    %dma_start3A_136 = tpu.memref_slice %arg3[%dma_start3A_135, %multiple_of3A_116] : memref<2x320000xi32, #tpu.memory_space<hbm>> -> memref<2x128xi32, #tpu.memory_space<hbm>>
    %dma_start3A_137 = arith.constant 0 : i32
    %dma_start3A_138 = arith.constant 0 : i32
    %dma_start3A_139 = tpu.memref_slice %arg7[%dma_start3A_130, %dma_start3A_137, %dma_start3A_138] : memref<3x2x128xi32, #tpu.memory_space<vmem>> -> memref<1x2x128xi32, #tpu.memory_space<vmem>>
    %dma_start3A_140 = tpu.memref_squeeze %dma_start3A_139 : memref<1x2x128xi32, #tpu.memory_space<vmem>> -> memref<2x128xi32, #tpu.memory_space<vmem>>
    %dma_start3A_141 = arith.constant 0 : i32
    %dma_start3A_142 = tpu.memref_slice %arg3[%dma_start3A_141, %multiple_of3A_116] : memref<2x320000xi32, #tpu.memory_space<hbm>> -> memref<2x128xi32, #tpu.memory_space<hbm>>
    tpu.enqueue_dma source(%dma_start3A_142 : memref<2x128xi32, #tpu.memory_space<hbm>>) target(%dma_start3A_140 : memref<2x128xi32, #tpu.memory_space<vmem>>) target_semaphore(%arg14 : memref<!tpu.dma_semaphore, #tpu.memory_space<semaphore_mem>>)
    %add3A_143 = arith.constant 1 : i32
    %add3A_144 = arith.addi %mul3A_4, %add3A_143 : i32
    %dma_wait3A_145 = arith.constant 1 : i32
    %dma_wait3A_146 = arith.constant 0 : i32
    %dma_wait3A_147 = arith.constant 0 : i32
    %dma_wait3A_148 = tpu.memref_slice %arg6[%dma_wait3A_145, %dma_wait3A_146, %dma_wait3A_147] : memref<3x128x128xf32, #tpu.memory_space<vmem>> -> memref<1x128x128xf32, #tpu.memory_space<vmem>>
    %dma_wait3A_149 = tpu.memref_squeeze %dma_wait3A_148 : memref<1x128x128xf32, #tpu.memory_space<vmem>> -> memref<128x128xf32, #tpu.memory_space<vmem>>
    %dma_wait3A_150 = arith.constant 0 : i32
    %dma_wait3A_151 = arith.constant 0 : i32
    %dma_wait3A_152 = tpu.memref_slice %arg2[%dma_wait3A_150, %dma_wait3A_151] : memref<320000x128xf32, #tpu.memory_space<hbm>> -> memref<128x128xf32, #tpu.memory_space<hbm>>
    %dma_wait3A_153 = arith.constant 0 : i32
    %dma_wait3A_154 = arith.constant 0 : i32
    %dma_wait3A_155 = tpu.memref_slice %arg6[%dma_wait3A_145, %dma_wait3A_153, %dma_wait3A_154] : memref<3x128x128xf32, #tpu.memory_space<vmem>> -> memref<1x128x128xf32, #tpu.memory_space<vmem>>
    %dma_wait3A_156 = tpu.memref_squeeze %dma_wait3A_155 : memref<1x128x128xf32, #tpu.memory_space<vmem>> -> memref<128x128xf32, #tpu.memory_space<vmem>>
    %dma_wait3A_157 = arith.constant 0 : i32
    %dma_wait3A_158 = arith.constant 0 : i32
    %dma_wait3A_159 = tpu.memref_slice %arg2[%dma_wait3A_157, %dma_wait3A_158] : memref<320000x128xf32, #tpu.memory_space<hbm>> -> memref<128x128xf32, #tpu.memory_space<hbm>>
    tpu.wait_dma2 semaphore(%arg10 : memref<!tpu.dma_semaphore, #tpu.memory_space<semaphore_mem>>) src(%dma_wait3A_159 : memref<128x128xf32, #tpu.memory_space<hbm>>) dst(%dma_wait3A_156 : memref<128x128xf32, #tpu.memory_space<vmem>>)
    %dma_wait3A_160 = arith.constant 1 : i32
    %dma_wait3A_161 = arith.constant 0 : i32
    %dma_wait3A_162 = arith.constant 0 : i32
    %dma_wait3A_163 = tpu.memref_slice %arg7[%dma_wait3A_160, %dma_wait3A_161, %dma_wait3A_162] : memref<3x2x128xi32, #tpu.memory_space<vmem>> -> memref<1x2x128xi32, #tpu.memory_space<vmem>>
    %dma_wait3A_164 = tpu.memref_squeeze %dma_wait3A_163 : memref<1x2x128xi32, #tpu.memory_space<vmem>> -> memref<2x128xi32, #tpu.memory_space<vmem>>
    %dma_wait3A_165 = arith.constant 0 : i32
    %dma_wait3A_166 = arith.constant 0 : i32
    %dma_wait3A_167 = tpu.memref_slice %arg3[%dma_wait3A_165, %dma_wait3A_166] : memref<2x320000xi32, #tpu.memory_space<hbm>> -> memref<2x128xi32, #tpu.memory_space<hbm>>
    %dma_wait3A_168 = arith.constant 0 : i32
    %dma_wait3A_169 = arith.constant 0 : i32
    %dma_wait3A_170 = tpu.memref_slice %arg7[%dma_wait3A_160, %dma_wait3A_168, %dma_wait3A_169] : memref<3x2x128xi32, #tpu.memory_space<vmem>> -> memref<1x2x128xi32, #tpu.memory_space<vmem>>
    %dma_wait3A_171 = tpu.memref_squeeze %dma_wait3A_170 : memref<1x2x128xi32, #tpu.memory_space<vmem>> -> memref<2x128xi32, #tpu.memory_space<vmem>>
    %dma_wait3A_172 = arith.constant 0 : i32
    %dma_wait3A_173 = arith.constant 0 : i32
    %dma_wait3A_174 = tpu.memref_slice %arg3[%dma_wait3A_172, %dma_wait3A_173] : memref<2x320000xi32, #tpu.memory_space<hbm>> -> memref<2x128xi32, #tpu.memory_space<hbm>>
    tpu.wait_dma2 semaphore(%arg13 : memref<!tpu.dma_semaphore, #tpu.memory_space<semaphore_mem>>) src(%dma_wait3A_174 : memref<2x128xi32, #tpu.memory_space<hbm>>) dst(%dma_wait3A_171 : memref<2x128xi32, #tpu.memory_space<vmem>>)
    %dma_wait3A_175 = arith.constant 0 : i32
    %dma_wait3A_176 = arith.constant 0 : i32
    %dma_wait3A_177 = arith.constant 1 : i32
    %dma_wait3A_178 = arith.constant 0 : i32
    %dma_wait3A_179 = arith.constant 0 : i32
    %dma_wait3A_180 = tpu.memref_slice %arg6[%dma_wait3A_175, %dma_wait3A_178, %dma_wait3A_179] : memref<3x128x128xf32, #tpu.memory_space<vmem>> -> memref<1x128x128xf32, #tpu.memory_space<vmem>>
    %dma_wait3A_181 = tpu.memref_squeeze %dma_wait3A_180 : memref<1x128x128xf32, #tpu.memory_space<vmem>> -> memref<128x128xf32, #tpu.memory_space<vmem>>
    %dma_wait3A_182 = arith.constant 0 : i32
    %dma_wait3A_183 = tpu.memref_slice %arg7[%dma_wait3A_176, %dma_wait3A_177, %dma_wait3A_182] : memref<3x2x128xi32, #tpu.memory_space<vmem>> -> memref<1x1x128xi32, #tpu.memory_space<vmem>>
    %dma_wait3A_184 = tpu.memref_squeeze %dma_wait3A_183 : memref<1x1x128xi32, #tpu.memory_space<vmem>> -> memref<128xi32, #tpu.memory_space<vmem>>
    %dma_wait3A_185 = arith.constant 0 : i32
    %dma_wait3A_186 = arith.constant 0 : i32
    %dma_wait3A_187 = tpu.memref_slice %arg8[%dma_wait3A_185, %dma_wait3A_186] : memref<10000x128xf32, #tpu.memory_space<vmem_shared>> -> memref<10000x128xf32, #tpu.memory_space<vmem_shared>>
    tpu.wait_indirect_dma semaphore(%arg15 : memref<!tpu.dma_semaphore, #tpu.memory_space<semaphore_mem>>) src(%dma_wait3A_181 : memref<128x128xf32, #tpu.memory_space<vmem>>) dst(%dma_wait3A_187 : memref<10000x128xf32, #tpu.memory_space<vmem_shared>>)
    %dma_start3A_188 = arith.constant 1 : i32
    %dma_start3A_189 = arith.constant 1 : i32
    %dma_start3A_190 = arith.constant 1 : i32
    %dma_start3A_191 = arith.constant 0 : i32
    %dma_start3A_192 = arith.constant 0 : i32
    %dma_start3A_193 = tpu.memref_slice %arg6[%dma_start3A_188, %dma_start3A_191, %dma_start3A_192] : memref<3x128x128xf32, #tpu.memory_space<vmem>> -> memref<1x128x128xf32, #tpu.memory_space<vmem>>
    %dma_start3A_194 = tpu.memref_squeeze %dma_start3A_193 : memref<1x128x128xf32, #tpu.memory_space<vmem>> -> memref<128x128xf32, #tpu.memory_space<vmem>>
    %dma_start3A_195 = arith.constant 0 : i32
    %dma_start3A_196 = tpu.memref_slice %arg7[%dma_start3A_189, %dma_start3A_190, %dma_start3A_195] : memref<3x2x128xi32, #tpu.memory_space<vmem>> -> memref<1x1x128xi32, #tpu.memory_space<vmem>>
    %dma_start3A_197 = tpu.memref_squeeze %dma_start3A_196 : memref<1x1x128xi32, #tpu.memory_space<vmem>> -> memref<128xi32, #tpu.memory_space<vmem>>
    %dma_start3A_198 = arith.constant 0 : i32
    %dma_start3A_199 = arith.constant 0 : i32
    %dma_start3A_200 = tpu.memref_slice %arg8[%dma_start3A_198, %dma_start3A_199] : memref<10000x128xf32, #tpu.memory_space<vmem_shared>> -> memref<10000x128xf32, #tpu.memory_space<vmem_shared>>
    tpu.enqueue_indirect_dma source(%dma_start3A_194 : memref<128x128xf32, #tpu.memory_space<vmem>>) target(%dma_start3A_200 : memref<10000x128xf32, #tpu.memory_space<vmem_shared>>) offsets(%dma_start3A_197 : memref<128xi32, #tpu.memory_space<vmem>>) semaphore(%arg16 : memref<!tpu.dma_semaphore, #tpu.memory_space<semaphore_mem>>) {add = true}
    %add3A_201 = arith.constant 2 : i32
    %add3A_202 = arith.addi %add3A_144, %add3A_201 : i32
    %mul3A_203 = arith.constant 128 : i32
    %mul3A_204 = arith.muli %add3A_202, %mul3A_203 : i32
    %multiple_of3A_205 = tpu.assume_multiple %mul3A_204, 128 : i32
    %dma_start3A_206 = arith.constant 0 : i32
    %dma_start3A_207 = arith.constant 0 : i32
    %dma_start3A_208 = arith.constant 0 : i32
    %dma_start3A_209 = tpu.memref_slice %arg6[%dma_start3A_206, %dma_start3A_207, %dma_start3A_208] : memref<3x128x128xf32, #tpu.memory_space<vmem>> -> memref<1x128x128xf32, #tpu.memory_space<vmem>>
    %dma_start3A_210 = tpu.memref_squeeze %dma_start3A_209 : memref<1x128x128xf32, #tpu.memory_space<vmem>> -> memref<128x128xf32, #tpu.memory_space<vmem>>
    %dma_start3A_211 = arith.constant 0 : i32
    %dma_start3A_212 = tpu.memref_slice %arg2[%multiple_of3A_205, %dma_start3A_211] : memref<320000x128xf32, #tpu.memory_space<hbm>> -> memref<128x128xf32, #tpu.memory_space<hbm>>
    %dma_start3A_213 = arith.constant 0 : i32
    %dma_start3A_214 = arith.constant 0 : i32
    %dma_start3A_215 = tpu.memref_slice %arg6[%dma_start3A_206, %dma_start3A_213, %dma_start3A_214] : memref<3x128x128xf32, #tpu.memory_space<vmem>> -> memref<1x128x128xf32, #tpu.memory_space<vmem>>
    %dma_start3A_216 = tpu.memref_squeeze %dma_start3A_215 : memref<1x128x128xf32, #tpu.memory_space<vmem>> -> memref<128x128xf32, #tpu.memory_space<vmem>>
    %dma_start3A_217 = arith.constant 0 : i32
    %dma_start3A_218 = tpu.memref_slice %arg2[%multiple_of3A_205, %dma_start3A_217] : memref<320000x128xf32, #tpu.memory_space<hbm>> -> memref<128x128xf32, #tpu.memory_space<hbm>>
    tpu.enqueue_dma source(%dma_start3A_218 : memref<128x128xf32, #tpu.memory_space<hbm>>) target(%dma_start3A_216 : memref<128x128xf32, #tpu.memory_space<vmem>>) target_semaphore(%arg9 : memref<!tpu.dma_semaphore, #tpu.memory_space<semaphore_mem>>)
    %dma_start3A_219 = arith.constant 0 : i32
    %dma_start3A_220 = arith.constant 0 : i32
    %dma_start3A_221 = arith.constant 0 : i32
    %dma_start3A_222 = tpu.memref_slice %arg7[%dma_start3A_219, %dma_start3A_220, %dma_start3A_221] : memref<3x2x128xi32, #tpu.memory_space<vmem>> -> memref<1x2x128xi32, #tpu.memory_space<vmem>>
    %dma_start3A_223 = tpu.memref_squeeze %dma_start3A_222 : memref<1x2x128xi32, #tpu.memory_space<vmem>> -> memref<2x128xi32, #tpu.memory_space<vmem>>
    %dma_start3A_224 = arith.constant 0 : i32
    %dma_start3A_225 = tpu.memref_slice %arg3[%dma_start3A_224, %multiple_of3A_205] : memref<2x320000xi32, #tpu.memory_space<hbm>> -> memref<2x128xi32, #tpu.memory_space<hbm>>
    %dma_start3A_226 = arith.constant 0 : i32
    %dma_start3A_227 = arith.constant 0 : i32
    %dma_start3A_228 = tpu.memref_slice %arg7[%dma_start3A_219, %dma_start3A_226, %dma_start3A_227] : memref<3x2x128xi32, #tpu.memory_space<vmem>> -> memref<1x2x128xi32, #tpu.memory_space<vmem>>
    %dma_start3A_229 = tpu.memref_squeeze %dma_start3A_228 : memref<1x2x128xi32, #tpu.memory_space<vmem>> -> memref<2x128xi32, #tpu.memory_space<vmem>>
    %dma_start3A_230 = arith.constant 0 : i32
    %dma_start3A_231 = tpu.memref_slice %arg3[%dma_start3A_230, %multiple_of3A_205] : memref<2x320000xi32, #tpu.memory_space<hbm>> -> memref<2x128xi32, #tpu.memory_space<hbm>>
    tpu.enqueue_dma source(%dma_start3A_231 : memref<2x128xi32, #tpu.memory_space<hbm>>) target(%dma_start3A_229 : memref<2x128xi32, #tpu.memory_space<vmem>>) target_semaphore(%arg12 : memref<!tpu.dma_semaphore, #tpu.memory_space<semaphore_mem>>)
    %scan3A = arith.constant 0 : i32
    %scan3A_232 = arith.constant 0 : i32
    %scan3A_233 = arith.constant 25 : i32
    %scan3A_234 = arith.addi %scan3A_232, %scan3A_233 : i32
    %scan3A_235 = arith.constant 1 : i32
    scf.for %scan3A_346 = %scan3A_232 to %scan3A_234 step %scan3A_235  : i32 {
      %mul3A_347 = arith.constant 3 : i32
      %mul3A_348 = arith.muli %mul3A_347, %scan3A_346 : i32
      %add3A_349 = arith.addi %mul3A_4, %mul3A_348 : i32
      %add3A_350 = arith.constant 2 : i32
      %add3A_351 = arith.addi %add3A_349, %add3A_350 : i32
      %add3A_352 = arith.constant 0 : i32
      %add3A_353 = arith.addi %add3A_351, %add3A_352 : i32
      %dma_wait3A_354 = arith.constant 2 : i32
      %dma_wait3A_355 = arith.constant 0 : i32
      %dma_wait3A_356 = arith.constant 0 : i32
      %dma_wait3A_357 = tpu.memref_slice %arg6[%dma_wait3A_354, %dma_wait3A_355, %dma_wait3A_356] : memref<3x128x128xf32, #tpu.memory_space<vmem>> -> memref<1x128x128xf32, #tpu.memory_space<vmem>>
      %dma_wait3A_358 = tpu.memref_squeeze %dma_wait3A_357 : memref<1x128x128xf32, #tpu.memory_space<vmem>> -> memref<128x128xf32, #tpu.memory_space<vmem>>
      %dma_wait3A_359 = arith.constant 0 : i32
      %dma_wait3A_360 = arith.constant 0 : i32
      %dma_wait3A_361 = tpu.memref_slice %arg2[%dma_wait3A_359, %dma_wait3A_360] : memref<320000x128xf32, #tpu.memory_space<hbm>> -> memref<128x128xf32, #tpu.memory_space<hbm>>
      %dma_wait3A_362 = arith.constant 0 : i32
      %dma_wait3A_363 = arith.constant 0 : i32
      %dma_wait3A_364 = tpu.memref_slice %arg6[%dma_wait3A_354, %dma_wait3A_362, %dma_wait3A_363] : memref<3x128x128xf32, #tpu.memory_space<vmem>> -> memref<1x128x128xf32, #tpu.memory_space<vmem>>
      %dma_wait3A_365 = tpu.memref_squeeze %dma_wait3A_364 : memref<1x128x128xf32, #tpu.memory_space<vmem>> -> memref<128x128xf32, #tpu.memory_space<vmem>>
      %dma_wait3A_366 = arith.constant 0 : i32
      %dma_wait3A_367 = arith.constant 0 : i32
      %dma_wait3A_368 = tpu.memref_slice %arg2[%dma_wait3A_366, %dma_wait3A_367] : memref<320000x128xf32, #tpu.memory_space<hbm>> -> memref<128x128xf32, #tpu.memory_space<hbm>>
      tpu.wait_dma2 semaphore(%arg11 : memref<!tpu.dma_semaphore, #tpu.memory_space<semaphore_mem>>) src(%dma_wait3A_368 : memref<128x128xf32, #tpu.memory_space<hbm>>) dst(%dma_wait3A_365 : memref<128x128xf32, #tpu.memory_space<vmem>>)
      %dma_wait3A_369 = arith.constant 2 : i32
      %dma_wait3A_370 = arith.constant 0 : i32
      %dma_wait3A_371 = arith.constant 0 : i32
      %dma_wait3A_372 = tpu.memref_slice %arg7[%dma_wait3A_369, %dma_wait3A_370, %dma_wait3A_371] : memref<3x2x128xi32, #tpu.memory_space<vmem>> -> memref<1x2x128xi32, #tpu.memory_space<vmem>>
      %dma_wait3A_373 = tpu.memref_squeeze %dma_wait3A_372 : memref<1x2x128xi32, #tpu.memory_space<vmem>> -> memref<2x128xi32, #tpu.memory_space<vmem>>
      %dma_wait3A_374 = arith.constant 0 : i32
      %dma_wait3A_375 = arith.constant 0 : i32
      %dma_wait3A_376 = tpu.memref_slice %arg3[%dma_wait3A_374, %dma_wait3A_375] : memref<2x320000xi32, #tpu.memory_space<hbm>> -> memref<2x128xi32, #tpu.memory_space<hbm>>
      %dma_wait3A_377 = arith.constant 0 : i32
      %dma_wait3A_378 = arith.constant 0 : i32
      %dma_wait3A_379 = tpu.memref_slice %arg7[%dma_wait3A_369, %dma_wait3A_377, %dma_wait3A_378] : memref<3x2x128xi32, #tpu.memory_space<vmem>> -> memref<1x2x128xi32, #tpu.memory_space<vmem>>
      %dma_wait3A_380 = tpu.memref_squeeze %dma_wait3A_379 : memref<1x2x128xi32, #tpu.memory_space<vmem>> -> memref<2x128xi32, #tpu.memory_space<vmem>>
      %dma_wait3A_381 = arith.constant 0 : i32
      %dma_wait3A_382 = arith.constant 0 : i32
      %dma_wait3A_383 = tpu.memref_slice %arg3[%dma_wait3A_381, %dma_wait3A_382] : memref<2x320000xi32, #tpu.memory_space<hbm>> -> memref<2x128xi32, #tpu.memory_space<hbm>>
      tpu.wait_dma2 semaphore(%arg14 : memref<!tpu.dma_semaphore, #tpu.memory_space<semaphore_mem>>) src(%dma_wait3A_383 : memref<2x128xi32, #tpu.memory_space<hbm>>) dst(%dma_wait3A_380 : memref<2x128xi32, #tpu.memory_space<vmem>>)
      %dma_wait3A_384 = arith.constant 1 : i32
      %dma_wait3A_385 = arith.constant 1 : i32
      %dma_wait3A_386 = arith.constant 1 : i32
      %dma_wait3A_387 = arith.constant 0 : i32
      %dma_wait3A_388 = arith.constant 0 : i32
      %dma_wait3A_389 = tpu.memref_slice %arg6[%dma_wait3A_384, %dma_wait3A_387, %dma_wait3A_388] : memref<3x128x128xf32, #tpu.memory_space<vmem>> -> memref<1x128x128xf32, #tpu.memory_space<vmem>>
      %dma_wait3A_390 = tpu.memref_squeeze %dma_wait3A_389 : memref<1x128x128xf32, #tpu.memory_space<vmem>> -> memref<128x128xf32, #tpu.memory_space<vmem>>
      %dma_wait3A_391 = arith.constant 0 : i32
      %dma_wait3A_392 = tpu.memref_slice %arg7[%dma_wait3A_385, %dma_wait3A_386, %dma_wait3A_391] : memref<3x2x128xi32, #tpu.memory_space<vmem>> -> memref<1x1x128xi32, #tpu.memory_space<vmem>>
      %dma_wait3A_393 = tpu.memref_squeeze %dma_wait3A_392 : memref<1x1x128xi32, #tpu.memory_space<vmem>> -> memref<128xi32, #tpu.memory_space<vmem>>
      %dma_wait3A_394 = arith.constant 0 : i32
      %dma_wait3A_395 = arith.constant 0 : i32
      %dma_wait3A_396 = tpu.memref_slice %arg8[%dma_wait3A_394, %dma_wait3A_395] : memref<10000x128xf32, #tpu.memory_space<vmem_shared>> -> memref<10000x128xf32, #tpu.memory_space<vmem_shared>>
      tpu.wait_indirect_dma semaphore(%arg16 : memref<!tpu.dma_semaphore, #tpu.memory_space<semaphore_mem>>) src(%dma_wait3A_390 : memref<128x128xf32, #tpu.memory_space<vmem>>) dst(%dma_wait3A_396 : memref<10000x128xf32, #tpu.memory_space<vmem_shared>>)
      %dma_start3A_397 = arith.constant 2 : i32
      %dma_start3A_398 = arith.constant 2 : i32
      %dma_start3A_399 = arith.constant 1 : i32
      %dma_start3A_400 = arith.constant 0 : i32
      %dma_start3A_401 = arith.constant 0 : i32
      %dma_start3A_402 = tpu.memref_slice %arg6[%dma_start3A_397, %dma_start3A_400, %dma_start3A_401] : memref<3x128x128xf32, #tpu.memory_space<vmem>> -> memref<1x128x128xf32, #tpu.memory_space<vmem>>
      %dma_start3A_403 = tpu.memref_squeeze %dma_start3A_402 : memref<1x128x128xf32, #tpu.memory_space<vmem>> -> memref<128x128xf32, #tpu.memory_space<vmem>>
      %dma_start3A_404 = arith.constant 0 : i32
      %dma_start3A_405 = tpu.memref_slice %arg7[%dma_start3A_398, %dma_start3A_399, %dma_start3A_404] : memref<3x2x128xi32, #tpu.memory_space<vmem>> -> memref<1x1x128xi32, #tpu.memory_space<vmem>>
      %dma_start3A_406 = tpu.memref_squeeze %dma_start3A_405 : memref<1x1x128xi32, #tpu.memory_space<vmem>> -> memref<128xi32, #tpu.memory_space<vmem>>
      %dma_start3A_407 = arith.constant 0 : i32
      %dma_start3A_408 = arith.constant 0 : i32
      %dma_start3A_409 = tpu.memref_slice %arg8[%dma_start3A_407, %dma_start3A_408] : memref<10000x128xf32, #tpu.memory_space<vmem_shared>> -> memref<10000x128xf32, #tpu.memory_space<vmem_shared>>
      tpu.enqueue_indirect_dma source(%dma_start3A_403 : memref<128x128xf32, #tpu.memory_space<vmem>>) target(%dma_start3A_409 : memref<10000x128xf32, #tpu.memory_space<vmem_shared>>) offsets(%dma_start3A_406 : memref<128xi32, #tpu.memory_space<vmem>>) semaphore(%arg17 : memref<!tpu.dma_semaphore, #tpu.memory_space<semaphore_mem>>) {add = true}
      %add3A_410 = arith.constant 2 : i32
      %add3A_411 = arith.addi %add3A_353, %add3A_410 : i32
      %mul3A_412 = arith.constant 128 : i32
      %mul3A_413 = arith.muli %add3A_411, %mul3A_412 : i32
      %multiple_of3A_414 = tpu.assume_multiple %mul3A_413, 128 : i32
      %dma_start3A_415 = arith.constant 1 : i32
      %dma_start3A_416 = arith.constant 0 : i32
      %dma_start3A_417 = arith.constant 0 : i32
      %dma_start3A_418 = tpu.memref_slice %arg6[%dma_start3A_415, %dma_start3A_416, %dma_start3A_417] : memref<3x128x128xf32, #tpu.memory_space<vmem>> -> memref<1x128x128xf32, #tpu.memory_space<vmem>>
      %dma_start3A_419 = tpu.memref_squeeze %dma_start3A_418 : memref<1x128x128xf32, #tpu.memory_space<vmem>> -> memref<128x128xf32, #tpu.memory_space<vmem>>
      %dma_start3A_420 = arith.constant 0 : i32
      %dma_start3A_421 = tpu.memref_slice %arg2[%multiple_of3A_414, %dma_start3A_420] : memref<320000x128xf32, #tpu.memory_space<hbm>> -> memref<128x128xf32, #tpu.memory_space<hbm>>
      %dma_start3A_422 = arith.constant 0 : i32
      %dma_start3A_423 = arith.constant 0 : i32
      %dma_start3A_424 = tpu.memref_slice %arg6[%dma_start3A_415, %dma_start3A_422, %dma_start3A_423] : memref<3x128x128xf32, #tpu.memory_space<vmem>> -> memref<1x128x128xf32, #tpu.memory_space<vmem>>
      %dma_start3A_425 = tpu.memref_squeeze %dma_start3A_424 : memref<1x128x128xf32, #tpu.memory_space<vmem>> -> memref<128x128xf32, #tpu.memory_space<vmem>>
      %dma_start3A_426 = arith.constant 0 : i32
      %dma_start3A_427 = tpu.memref_slice %arg2[%multiple_of3A_414, %dma_start3A_426] : memref<320000x128xf32, #tpu.memory_space<hbm>> -> memref<128x128xf32, #tpu.memory_space<hbm>>
      tpu.enqueue_dma source(%dma_start3A_427 : memref<128x128xf32, #tpu.memory_space<hbm>>) target(%dma_start3A_425 : memref<128x128xf32, #tpu.memory_space<vmem>>) target_semaphore(%arg10 : memref<!tpu.dma_semaphore, #tpu.memory_space<semaphore_mem>>)
      %dma_start3A_428 = arith.constant 1 : i32
      %dma_start3A_429 = arith.constant 0 : i32
      %dma_start3A_430 = arith.constant 0 : i32
      %dma_start3A_431 = tpu.memref_slice %arg7[%dma_start3A_428, %dma_start3A_429, %dma_start3A_430] : memref<3x2x128xi32, #tpu.memory_space<vmem>> -> memref<1x2x128xi32, #tpu.memory_space<vmem>>
      %dma_start3A_432 = tpu.memref_squeeze %dma_start3A_431 : memref<1x2x128xi32, #tpu.memory_space<vmem>> -> memref<2x128xi32, #tpu.memory_space<vmem>>
      %dma_start3A_433 = arith.constant 0 : i32
      %dma_start3A_434 = tpu.memref_slice %arg3[%dma_start3A_433, %multiple_of3A_414] : memref<2x320000xi32, #tpu.memory_space<hbm>> -> memref<2x128xi32, #tpu.memory_space<hbm>>
      %dma_start3A_435 = arith.constant 0 : i32
      %dma_start3A_436 = arith.constant 0 : i32
      %dma_start3A_437 = tpu.memref_slice %arg7[%dma_start3A_428, %dma_start3A_435, %dma_start3A_436] : memref<3x2x128xi32, #tpu.memory_space<vmem>> -> memref<1x2x128xi32, #tpu.memory_space<vmem>>
      %dma_start3A_438 = tpu.memref_squeeze %dma_start3A_437 : memref<1x2x128xi32, #tpu.memory_space<vmem>> -> memref<2x128xi32, #tpu.memory_space<vmem>>
      %dma_start3A_439 = arith.constant 0 : i32
      %dma_start3A_440 = tpu.memref_slice %arg3[%dma_start3A_439, %multiple_of3A_414] : memref<2x320000xi32, #tpu.memory_space<hbm>> -> memref<2x128xi32, #tpu.memory_space<hbm>>
      tpu.enqueue_dma source(%dma_start3A_440 : memref<2x128xi32, #tpu.memory_space<hbm>>) target(%dma_start3A_438 : memref<2x128xi32, #tpu.memory_space<vmem>>) target_semaphore(%arg13 : memref<!tpu.dma_semaphore, #tpu.memory_space<semaphore_mem>>)
      %add3A_441 = arith.constant 1 : i32
      %add3A_442 = arith.addi %add3A_351, %add3A_441 : i32
      %dma_wait3A_443 = arith.constant 0 : i32
      %dma_wait3A_444 = arith.constant 0 : i32
      %dma_wait3A_445 = arith.constant 0 : i32
      %dma_wait3A_446 = tpu.memref_slice %arg6[%dma_wait3A_443, %dma_wait3A_444, %dma_wait3A_445] : memref<3x128x128xf32, #tpu.memory_space<vmem>> -> memref<1x128x128xf32, #tpu.memory_space<vmem>>
      %dma_wait3A_447 = tpu.memref_squeeze %dma_wait3A_446 : memref<1x128x128xf32, #tpu.memory_space<vmem>> -> memref<128x128xf32, #tpu.memory_space<vmem>>
      %dma_wait3A_448 = arith.constant 0 : i32
      %dma_wait3A_449 = arith.constant 0 : i32
      %dma_wait3A_450 = tpu.memref_slice %arg2[%dma_wait3A_448, %dma_wait3A_449] : memref<320000x128xf32, #tpu.memory_space<hbm>> -> memref<128x128xf32, #tpu.memory_space<hbm>>
      %dma_wait3A_451 = arith.constant 0 : i32
      %dma_wait3A_452 = arith.constant 0 : i32
      %dma_wait3A_453 = tpu.memref_slice %arg6[%dma_wait3A_443, %dma_wait3A_451, %dma_wait3A_452] : memref<3x128x128xf32, #tpu.memory_space<vmem>> -> memref<1x128x128xf32, #tpu.memory_space<vmem>>
      %dma_wait3A_454 = tpu.memref_squeeze %dma_wait3A_453 : memref<1x128x128xf32, #tpu.memory_space<vmem>> -> memref<128x128xf32, #tpu.memory_space<vmem>>
      %dma_wait3A_455 = arith.constant 0 : i32
      %dma_wait3A_456 = arith.constant 0 : i32
      %dma_wait3A_457 = tpu.memref_slice %arg2[%dma_wait3A_455, %dma_wait3A_456] : memref<320000x128xf32, #tpu.memory_space<hbm>> -> memref<128x128xf32, #tpu.memory_space<hbm>>
      tpu.wait_dma2 semaphore(%arg9 : memref<!tpu.dma_semaphore, #tpu.memory_space<semaphore_mem>>) src(%dma_wait3A_457 : memref<128x128xf32, #tpu.memory_space<hbm>>) dst(%dma_wait3A_454 : memref<128x128xf32, #tpu.memory_space<vmem>>)
      %dma_wait3A_458 = arith.constant 0 : i32
      %dma_wait3A_459 = arith.constant 0 : i32
      %dma_wait3A_460 = arith.constant 0 : i32
      %dma_wait3A_461 = tpu.memref_slice %arg7[%dma_wait3A_458, %dma_wait3A_459, %dma_wait3A_460] : memref<3x2x128xi32, #tpu.memory_space<vmem>> -> memref<1x2x128xi32, #tpu.memory_space<vmem>>
      %dma_wait3A_462 = tpu.memref_squeeze %dma_wait3A_461 : memref<1x2x128xi32, #tpu.memory_space<vmem>> -> memref<2x128xi32, #tpu.memory_space<vmem>>
      %dma_wait3A_463 = arith.constant 0 : i32
      %dma_wait3A_464 = arith.constant 0 : i32
      %dma_wait3A_465 = tpu.memref_slice %arg3[%dma_wait3A_463, %dma_wait3A_464] : memref<2x320000xi32, #tpu.memory_space<hbm>> -> memref<2x128xi32, #tpu.memory_space<hbm>>
      %dma_wait3A_466 = arith.constant 0 : i32
      %dma_wait3A_467 = arith.constant 0 : i32
      %dma_wait3A_468 = tpu.memref_slice %arg7[%dma_wait3A_458, %dma_wait3A_466, %dma_wait3A_467] : memref<3x2x128xi32, #tpu.memory_space<vmem>> -> memref<1x2x128xi32, #tpu.memory_space<vmem>>
      %dma_wait3A_469 = tpu.memref_squeeze %dma_wait3A_468 : memref<1x2x128xi32, #tpu.memory_space<vmem>> -> memref<2x128xi32, #tpu.memory_space<vmem>>
      %dma_wait3A_470 = arith.constant 0 : i32
      %dma_wait3A_471 = arith.constant 0 : i32
      %dma_wait3A_472 = tpu.memref_slice %arg3[%dma_wait3A_470, %dma_wait3A_471] : memref<2x320000xi32, #tpu.memory_space<hbm>> -> memref<2x128xi32, #tpu.memory_space<hbm>>
      tpu.wait_dma2 semaphore(%arg12 : memref<!tpu.dma_semaphore, #tpu.memory_space<semaphore_mem>>) src(%dma_wait3A_472 : memref<2x128xi32, #tpu.memory_space<hbm>>) dst(%dma_wait3A_469 : memref<2x128xi32, #tpu.memory_space<vmem>>)
      %dma_wait3A_473 = arith.constant 2 : i32
      %dma_wait3A_474 = arith.constant 2 : i32
      %dma_wait3A_475 = arith.constant 1 : i32
      %dma_wait3A_476 = arith.constant 0 : i32
      %dma_wait3A_477 = arith.constant 0 : i32
      %dma_wait3A_478 = tpu.memref_slice %arg6[%dma_wait3A_473, %dma_wait3A_476, %dma_wait3A_477] : memref<3x128x128xf32, #tpu.memory_space<vmem>> -> memref<1x128x128xf32, #tpu.memory_space<vmem>>
      %dma_wait3A_479 = tpu.memref_squeeze %dma_wait3A_478 : memref<1x128x128xf32, #tpu.memory_space<vmem>> -> memref<128x128xf32, #tpu.memory_space<vmem>>
      %dma_wait3A_480 = arith.constant 0 : i32
      %dma_wait3A_481 = tpu.memref_slice %arg7[%dma_wait3A_474, %dma_wait3A_475, %dma_wait3A_480] : memref<3x2x128xi32, #tpu.memory_space<vmem>> -> memref<1x1x128xi32, #tpu.memory_space<vmem>>
      %dma_wait3A_482 = tpu.memref_squeeze %dma_wait3A_481 : memref<1x1x128xi32, #tpu.memory_space<vmem>> -> memref<128xi32, #tpu.memory_space<vmem>>
      %dma_wait3A_483 = arith.constant 0 : i32
      %dma_wait3A_484 = arith.constant 0 : i32
      %dma_wait3A_485 = tpu.memref_slice %arg8[%dma_wait3A_483, %dma_wait3A_484] : memref<10000x128xf32, #tpu.memory_space<vmem_shared>> -> memref<10000x128xf32, #tpu.memory_space<vmem_shared>>
      tpu.wait_indirect_dma semaphore(%arg17 : memref<!tpu.dma_semaphore, #tpu.memory_space<semaphore_mem>>) src(%dma_wait3A_479 : memref<128x128xf32, #tpu.memory_space<vmem>>) dst(%dma_wait3A_485 : memref<10000x128xf32, #tpu.memory_space<vmem_shared>>)
      %dma_start3A_486 = arith.constant 0 : i32
      %dma_start3A_487 = arith.constant 0 : i32
      %dma_start3A_488 = arith.constant 1 : i32
      %dma_start3A_489 = arith.constant 0 : i32
      %dma_start3A_490 = arith.constant 0 : i32
      %dma_start3A_491 = tpu.memref_slice %arg6[%dma_start3A_486, %dma_start3A_489, %dma_start3A_490] : memref<3x128x128xf32, #tpu.memory_space<vmem>> -> memref<1x128x128xf32, #tpu.memory_space<vmem>>
      %dma_start3A_492 = tpu.memref_squeeze %dma_start3A_491 : memref<1x128x128xf32, #tpu.memory_space<vmem>> -> memref<128x128xf32, #tpu.memory_space<vmem>>
      %dma_start3A_493 = arith.constant 0 : i32
      %dma_start3A_494 = tpu.memref_slice %arg7[%dma_start3A_487, %dma_start3A_488, %dma_start3A_493] : memref<3x2x128xi32, #tpu.memory_space<vmem>> -> memref<1x1x128xi32, #tpu.memory_space<vmem>>
      %dma_start3A_495 = tpu.memref_squeeze %dma_start3A_494 : memref<1x1x128xi32, #tpu.memory_space<vmem>> -> memref<128xi32, #tpu.memory_space<vmem>>
      %dma_start3A_496 = arith.constant 0 : i32
      %dma_start3A_497 = arith.constant 0 : i32
      %dma_start3A_498 = tpu.memref_slice %arg8[%dma_start3A_496, %dma_start3A_497] : memref<10000x128xf32, #tpu.memory_space<vmem_shared>> -> memref<10000x128xf32, #tpu.memory_space<vmem_shared>>
      tpu.enqueue_indirect_dma source(%dma_start3A_492 : memref<128x128xf32, #tpu.memory_space<vmem>>) target(%dma_start3A_498 : memref<10000x128xf32, #tpu.memory_space<vmem_shared>>) offsets(%dma_start3A_495 : memref<128xi32, #tpu.memory_space<vmem>>) semaphore(%arg15 : memref<!tpu.dma_semaphore, #tpu.memory_space<semaphore_mem>>) {add = true}
      %add3A_499 = arith.constant 2 : i32
      %add3A_500 = arith.addi %add3A_442, %add3A_499 : i32
      %mul3A_501 = arith.constant 128 : i32
      %mul3A_502 = arith.muli %add3A_500, %mul3A_501 : i32
      %multiple_of3A_503 = tpu.assume_multiple %mul3A_502, 128 : i32
      %dma_start3A_504 = arith.constant 2 : i32
      %dma_start3A_505 = arith.constant 0 : i32
      %dma_start3A_506 = arith.constant 0 : i32
      %dma_start3A_507 = tpu.memref_slice %arg6[%dma_start3A_504, %dma_start3A_505, %dma_start3A_506] : memref<3x128x128xf32, #tpu.memory_space<vmem>> -> memref<1x128x128xf32, #tpu.memory_space<vmem>>
      %dma_start3A_508 = tpu.memref_squeeze %dma_start3A_507 : memref<1x128x128xf32, #tpu.memory_space<vmem>> -> memref<128x128xf32, #tpu.memory_space<vmem>>
      %dma_start3A_509 = arith.constant 0 : i32
      %dma_start3A_510 = tpu.memref_slice %arg2[%multiple_of3A_503, %dma_start3A_509] : memref<320000x128xf32, #tpu.memory_space<hbm>> -> memref<128x128xf32, #tpu.memory_space<hbm>>
      %dma_start3A_511 = arith.constant 0 : i32
      %dma_start3A_512 = arith.constant 0 : i32
      %dma_start3A_513 = tpu.memref_slice %arg6[%dma_start3A_504, %dma_start3A_511, %dma_start3A_512] : memref<3x128x128xf32, #tpu.memory_space<vmem>> -> memref<1x128x128xf32, #tpu.memory_space<vmem>>
      %dma_start3A_514 = tpu.memref_squeeze %dma_start3A_513 : memref<1x128x128xf32, #tpu.memory_space<vmem>> -> memref<128x128xf32, #tpu.memory_space<vmem>>
      %dma_start3A_515 = arith.constant 0 : i32
      %dma_start3A_516 = tpu.memref_slice %arg2[%multiple_of3A_503, %dma_start3A_515] : memref<320000x128xf32, #tpu.memory_space<hbm>> -> memref<128x128xf32, #tpu.memory_space<hbm>>
      tpu.enqueue_dma source(%dma_start3A_516 : memref<128x128xf32, #tpu.memory_space<hbm>>) target(%dma_start3A_514 : memref<128x128xf32, #tpu.memory_space<vmem>>) target_semaphore(%arg11 : memref<!tpu.dma_semaphore, #tpu.memory_space<semaphore_mem>>)
      %dma_start3A_517 = arith.constant 2 : i32
      %dma_start3A_518 = arith.constant 0 : i32
      %dma_start3A_519 = arith.constant 0 : i32
      %dma_start3A_520 = tpu.memref_slice %arg7[%dma_start3A_517, %dma_start3A_518, %dma_start3A_519] : memref<3x2x128xi32, #tpu.memory_space<vmem>> -> memref<1x2x128xi32, #tpu.memory_space<vmem>>
      %dma_start3A_521 = tpu.memref_squeeze %dma_start3A_520 : memref<1x2x128xi32, #tpu.memory_space<vmem>> -> memref<2x128xi32, #tpu.memory_space<vmem>>
      %dma_start3A_522 = arith.constant 0 : i32
      %dma_start3A_523 = tpu.memref_slice %arg3[%dma_start3A_522, %multiple_of3A_503] : memref<2x320000xi32, #tpu.memory_space<hbm>> -> memref<2x128xi32, #tpu.memory_space<hbm>>
      %dma_start3A_524 = arith.constant 0 : i32
      %dma_start3A_525 = arith.constant 0 : i32
      %dma_start3A_526 = tpu.memref_slice %arg7[%dma_start3A_517, %dma_start3A_524, %dma_start3A_525] : memref<3x2x128xi32, #tpu.memory_space<vmem>> -> memref<1x2x128xi32, #tpu.memory_space<vmem>>
      %dma_start3A_527 = tpu.memref_squeeze %dma_start3A_526 : memref<1x2x128xi32, #tpu.memory_space<vmem>> -> memref<2x128xi32, #tpu.memory_space<vmem>>
      %dma_start3A_528 = arith.constant 0 : i32
      %dma_start3A_529 = tpu.memref_slice %arg3[%dma_start3A_528, %multiple_of3A_503] : memref<2x320000xi32, #tpu.memory_space<hbm>> -> memref<2x128xi32, #tpu.memory_space<hbm>>
      tpu.enqueue_dma source(%dma_start3A_529 : memref<2x128xi32, #tpu.memory_space<hbm>>) target(%dma_start3A_527 : memref<2x128xi32, #tpu.memory_space<vmem>>) target_semaphore(%arg14 : memref<!tpu.dma_semaphore, #tpu.memory_space<semaphore_mem>>)
      %add3A_530 = arith.constant 2 : i32
      %add3A_531 = arith.addi %add3A_351, %add3A_530 : i32
      %dma_wait3A_532 = arith.constant 1 : i32
      %dma_wait3A_533 = arith.constant 0 : i32
      %dma_wait3A_534 = arith.constant 0 : i32
      %dma_wait3A_535 = tpu.memref_slice %arg6[%dma_wait3A_532, %dma_wait3A_533, %dma_wait3A_534] : memref<3x128x128xf32, #tpu.memory_space<vmem>> -> memref<1x128x128xf32, #tpu.memory_space<vmem>>
      %dma_wait3A_536 = tpu.memref_squeeze %dma_wait3A_535 : memref<1x128x128xf32, #tpu.memory_space<vmem>> -> memref<128x128xf32, #tpu.memory_space<vmem>>
      %dma_wait3A_537 = arith.constant 0 : i32
      %dma_wait3A_538 = arith.constant 0 : i32
      %dma_wait3A_539 = tpu.memref_slice %arg2[%dma_wait3A_537, %dma_wait3A_538] : memref<320000x128xf32, #tpu.memory_space<hbm>> -> memref<128x128xf32, #tpu.memory_space<hbm>>
      %dma_wait3A_540 = arith.constant 0 : i32
      %dma_wait3A_541 = arith.constant 0 : i32
      %dma_wait3A_542 = tpu.memref_slice %arg6[%dma_wait3A_532, %dma_wait3A_540, %dma_wait3A_541] : memref<3x128x128xf32, #tpu.memory_space<vmem>> -> memref<1x128x128xf32, #tpu.memory_space<vmem>>
      %dma_wait3A_543 = tpu.memref_squeeze %dma_wait3A_542 : memref<1x128x128xf32, #tpu.memory_space<vmem>> -> memref<128x128xf32, #tpu.memory_space<vmem>>
      %dma_wait3A_544 = arith.constant 0 : i32
      %dma_wait3A_545 = arith.constant 0 : i32
      %dma_wait3A_546 = tpu.memref_slice %arg2[%dma_wait3A_544, %dma_wait3A_545] : memref<320000x128xf32, #tpu.memory_space<hbm>> -> memref<128x128xf32, #tpu.memory_space<hbm>>
      tpu.wait_dma2 semaphore(%arg10 : memref<!tpu.dma_semaphore, #tpu.memory_space<semaphore_mem>>) src(%dma_wait3A_546 : memref<128x128xf32, #tpu.memory_space<hbm>>) dst(%dma_wait3A_543 : memref<128x128xf32, #tpu.memory_space<vmem>>)
      %dma_wait3A_547 = arith.constant 1 : i32
      %dma_wait3A_548 = arith.constant 0 : i32
      %dma_wait3A_549 = arith.constant 0 : i32
      %dma_wait3A_550 = tpu.memref_slice %arg7[%dma_wait3A_547, %dma_wait3A_548, %dma_wait3A_549] : memref<3x2x128xi32, #tpu.memory_space<vmem>> -> memref<1x2x128xi32, #tpu.memory_space<vmem>>
      %dma_wait3A_551 = tpu.memref_squeeze %dma_wait3A_550 : memref<1x2x128xi32, #tpu.memory_space<vmem>> -> memref<2x128xi32, #tpu.memory_space<vmem>>
      %dma_wait3A_552 = arith.constant 0 : i32
      %dma_wait3A_553 = arith.constant 0 : i32
      %dma_wait3A_554 = tpu.memref_slice %arg3[%dma_wait3A_552, %dma_wait3A_553] : memref<2x320000xi32, #tpu.memory_space<hbm>> -> memref<2x128xi32, #tpu.memory_space<hbm>>
      %dma_wait3A_555 = arith.constant 0 : i32
      %dma_wait3A_556 = arith.constant 0 : i32
      %dma_wait3A_557 = tpu.memref_slice %arg7[%dma_wait3A_547, %dma_wait3A_555, %dma_wait3A_556] : memref<3x2x128xi32, #tpu.memory_space<vmem>> -> memref<1x2x128xi32, #tpu.memory_space<vmem>>
      %dma_wait3A_558 = tpu.memref_squeeze %dma_wait3A_557 : memref<1x2x128xi32, #tpu.memory_space<vmem>> -> memref<2x128xi32, #tpu.memory_space<vmem>>
      %dma_wait3A_559 = arith.constant 0 : i32
      %dma_wait3A_560 = arith.constant 0 : i32
      %dma_wait3A_561 = tpu.memref_slice %arg3[%dma_wait3A_559, %dma_wait3A_560] : memref<2x320000xi32, #tpu.memory_space<hbm>> -> memref<2x128xi32, #tpu.memory_space<hbm>>
      tpu.wait_dma2 semaphore(%arg13 : memref<!tpu.dma_semaphore, #tpu.memory_space<semaphore_mem>>) src(%dma_wait3A_561 : memref<2x128xi32, #tpu.memory_space<hbm>>) dst(%dma_wait3A_558 : memref<2x128xi32, #tpu.memory_space<vmem>>)
      %dma_wait3A_562 = arith.constant 0 : i32
      %dma_wait3A_563 = arith.constant 0 : i32
      %dma_wait3A_564 = arith.constant 1 : i32
      %dma_wait3A_565 = arith.constant 0 : i32
      %dma_wait3A_566 = arith.constant 0 : i32
      %dma_wait3A_567 = tpu.memref_slice %arg6[%dma_wait3A_562, %dma_wait3A_565, %dma_wait3A_566] : memref<3x128x128xf32, #tpu.memory_space<vmem>> -> memref<1x128x128xf32, #tpu.memory_space<vmem>>
      %dma_wait3A_568 = tpu.memref_squeeze %dma_wait3A_567 : memref<1x128x128xf32, #tpu.memory_space<vmem>> -> memref<128x128xf32, #tpu.memory_space<vmem>>
      %dma_wait3A_569 = arith.constant 0 : i32
      %dma_wait3A_570 = tpu.memref_slice %arg7[%dma_wait3A_563, %dma_wait3A_564, %dma_wait3A_569] : memref<3x2x128xi32, #tpu.memory_space<vmem>> -> memref<1x1x128xi32, #tpu.memory_space<vmem>>
      %dma_wait3A_571 = tpu.memref_squeeze %dma_wait3A_570 : memref<1x1x128xi32, #tpu.memory_space<vmem>> -> memref<128xi32, #tpu.memory_space<vmem>>
      %dma_wait3A_572 = arith.constant 0 : i32
      %dma_wait3A_573 = arith.constant 0 : i32
      %dma_wait3A_574 = tpu.memref_slice %arg8[%dma_wait3A_572, %dma_wait3A_573] : memref<10000x128xf32, #tpu.memory_space<vmem_shared>> -> memref<10000x128xf32, #tpu.memory_space<vmem_shared>>
      tpu.wait_indirect_dma semaphore(%arg15 : memref<!tpu.dma_semaphore, #tpu.memory_space<semaphore_mem>>) src(%dma_wait3A_568 : memref<128x128xf32, #tpu.memory_space<vmem>>) dst(%dma_wait3A_574 : memref<10000x128xf32, #tpu.memory_space<vmem_shared>>)
      %dma_start3A_575 = arith.constant 1 : i32
      %dma_start3A_576 = arith.constant 1 : i32
      %dma_start3A_577 = arith.constant 1 : i32
      %dma_start3A_578 = arith.constant 0 : i32
      %dma_start3A_579 = arith.constant 0 : i32
      %dma_start3A_580 = tpu.memref_slice %arg6[%dma_start3A_575, %dma_start3A_578, %dma_start3A_579] : memref<3x128x128xf32, #tpu.memory_space<vmem>> -> memref<1x128x128xf32, #tpu.memory_space<vmem>>
      %dma_start3A_581 = tpu.memref_squeeze %dma_start3A_580 : memref<1x128x128xf32, #tpu.memory_space<vmem>> -> memref<128x128xf32, #tpu.memory_space<vmem>>
      %dma_start3A_582 = arith.constant 0 : i32
      %dma_start3A_583 = tpu.memref_slice %arg7[%dma_start3A_576, %dma_start3A_577, %dma_start3A_582] : memref<3x2x128xi32, #tpu.memory_space<vmem>> -> memref<1x1x128xi32, #tpu.memory_space<vmem>>
      %dma_start3A_584 = tpu.memref_squeeze %dma_start3A_583 : memref<1x1x128xi32, #tpu.memory_space<vmem>> -> memref<128xi32, #tpu.memory_space<vmem>>
      %dma_start3A_585 = arith.constant 0 : i32
      %dma_start3A_586 = arith.constant 0 : i32
      %dma_start3A_587 = tpu.memref_slice %arg8[%dma_start3A_585, %dma_start3A_586] : memref<10000x128xf32, #tpu.memory_space<vmem_shared>> -> memref<10000x128xf32, #tpu.memory_space<vmem_shared>>
      tpu.enqueue_indirect_dma source(%dma_start3A_581 : memref<128x128xf32, #tpu.memory_space<vmem>>) target(%dma_start3A_587 : memref<10000x128xf32, #tpu.memory_space<vmem_shared>>) offsets(%dma_start3A_584 : memref<128xi32, #tpu.memory_space<vmem>>) semaphore(%arg16 : memref<!tpu.dma_semaphore, #tpu.memory_space<semaphore_mem>>) {add = true}
      %add3A_588 = arith.constant 2 : i32
      %add3A_589 = arith.addi %add3A_531, %add3A_588 : i32
      %mul3A_590 = arith.constant 128 : i32
      %mul3A_591 = arith.muli %add3A_589, %mul3A_590 : i32
      %multiple_of3A_592 = tpu.assume_multiple %mul3A_591, 128 : i32
      %dma_start3A_593 = arith.constant 0 : i32
      %dma_start3A_594 = arith.constant 0 : i32
      %dma_start3A_595 = arith.constant 0 : i32
      %dma_start3A_596 = tpu.memref_slice %arg6[%dma_start3A_593, %dma_start3A_594, %dma_start3A_595] : memref<3x128x128xf32, #tpu.memory_space<vmem>> -> memref<1x128x128xf32, #tpu.memory_space<vmem>>
      %dma_start3A_597 = tpu.memref_squeeze %dma_start3A_596 : memref<1x128x128xf32, #tpu.memory_space<vmem>> -> memref<128x128xf32, #tpu.memory_space<vmem>>
      %dma_start3A_598 = arith.constant 0 : i32
      %dma_start3A_599 = tpu.memref_slice %arg2[%multiple_of3A_592, %dma_start3A_598] : memref<320000x128xf32, #tpu.memory_space<hbm>> -> memref<128x128xf32, #tpu.memory_space<hbm>>
      %dma_start3A_600 = arith.constant 0 : i32
      %dma_start3A_601 = arith.constant 0 : i32
      %dma_start3A_602 = tpu.memref_slice %arg6[%dma_start3A_593, %dma_start3A_600, %dma_start3A_601] : memref<3x128x128xf32, #tpu.memory_space<vmem>> -> memref<1x128x128xf32, #tpu.memory_space<vmem>>
      %dma_start3A_603 = tpu.memref_squeeze %dma_start3A_602 : memref<1x128x128xf32, #tpu.memory_space<vmem>> -> memref<128x128xf32, #tpu.memory_space<vmem>>
      %dma_start3A_604 = arith.constant 0 : i32
      %dma_start3A_605 = tpu.memref_slice %arg2[%multiple_of3A_592, %dma_start3A_604] : memref<320000x128xf32, #tpu.memory_space<hbm>> -> memref<128x128xf32, #tpu.memory_space<hbm>>
      tpu.enqueue_dma source(%dma_start3A_605 : memref<128x128xf32, #tpu.memory_space<hbm>>) target(%dma_start3A_603 : memref<128x128xf32, #tpu.memory_space<vmem>>) target_semaphore(%arg9 : memref<!tpu.dma_semaphore, #tpu.memory_space<semaphore_mem>>)
      %dma_start3A_606 = arith.constant 0 : i32
      %dma_start3A_607 = arith.constant 0 : i32
      %dma_start3A_608 = arith.constant 0 : i32
      %dma_start3A_609 = tpu.memref_slice %arg7[%dma_start3A_606, %dma_start3A_607, %dma_start3A_608] : memref<3x2x128xi32, #tpu.memory_space<vmem>> -> memref<1x2x128xi32, #tpu.memory_space<vmem>>
      %dma_start3A_610 = tpu.memref_squeeze %dma_start3A_609 : memref<1x2x128xi32, #tpu.memory_space<vmem>> -> memref<2x128xi32, #tpu.memory_space<vmem>>
      %dma_start3A_611 = arith.constant 0 : i32
      %dma_start3A_612 = tpu.memref_slice %arg3[%dma_start3A_611, %multiple_of3A_592] : memref<2x320000xi32, #tpu.memory_space<hbm>> -> memref<2x128xi32, #tpu.memory_space<hbm>>
      %dma_start3A_613 = arith.constant 0 : i32
      %dma_start3A_614 = arith.constant 0 : i32
      %dma_start3A_615 = tpu.memref_slice %arg7[%dma_start3A_606, %dma_start3A_613, %dma_start3A_614] : memref<3x2x128xi32, #tpu.memory_space<vmem>> -> memref<1x2x128xi32, #tpu.memory_space<vmem>>
      %dma_start3A_616 = tpu.memref_squeeze %dma_start3A_615 : memref<1x2x128xi32, #tpu.memory_space<vmem>> -> memref<2x128xi32, #tpu.memory_space<vmem>>
      %dma_start3A_617 = arith.constant 0 : i32
      %dma_start3A_618 = tpu.memref_slice %arg3[%dma_start3A_617, %multiple_of3A_592] : memref<2x320000xi32, #tpu.memory_space<hbm>> -> memref<2x128xi32, #tpu.memory_space<hbm>>
      tpu.enqueue_dma source(%dma_start3A_618 : memref<2x128xi32, #tpu.memory_space<hbm>>) target(%dma_start3A_616 : memref<2x128xi32, #tpu.memory_space<vmem>>) target_semaphore(%arg12 : memref<!tpu.dma_semaphore, #tpu.memory_space<semaphore_mem>>)
    }
    %scan3A_236 = arith.constant 25 : i32
    %add3A_237 = arith.constant 78 : i32
    %add3A_238 = arith.addi %mul3A_4, %add3A_237 : i32
    %sub3A = arith.constant 1 : i32
    %sub3A_239 = arith.subi %add3A_238, %sub3A : i32
    %dma_wait3A_240 = arith.constant 2 : i32
    %dma_wait3A_241 = arith.constant 0 : i32
    %dma_wait3A_242 = arith.constant 0 : i32
    %dma_wait3A_243 = tpu.memref_slice %arg6[%dma_wait3A_240, %dma_wait3A_241, %dma_wait3A_242] : memref<3x128x128xf32, #tpu.memory_space<vmem>> -> memref<1x128x128xf32, #tpu.memory_space<vmem>>
    %dma_wait3A_244 = tpu.memref_squeeze %dma_wait3A_243 : memref<1x128x128xf32, #tpu.memory_space<vmem>> -> memref<128x128xf32, #tpu.memory_space<vmem>>
    %dma_wait3A_245 = arith.constant 0 : i32
    %dma_wait3A_246 = arith.constant 0 : i32
    %dma_wait3A_247 = tpu.memref_slice %arg2[%dma_wait3A_245, %dma_wait3A_246] : memref<320000x128xf32, #tpu.memory_space<hbm>> -> memref<128x128xf32, #tpu.memory_space<hbm>>
    %dma_wait3A_248 = arith.constant 0 : i32
    %dma_wait3A_249 = arith.constant 0 : i32
    %dma_wait3A_250 = tpu.memref_slice %arg6[%dma_wait3A_240, %dma_wait3A_248, %dma_wait3A_249] : memref<3x128x128xf32, #tpu.memory_space<vmem>> -> memref<1x128x128xf32, #tpu.memory_space<vmem>>
    %dma_wait3A_251 = tpu.memref_squeeze %dma_wait3A_250 : memref<1x128x128xf32, #tpu.memory_space<vmem>> -> memref<128x128xf32, #tpu.memory_space<vmem>>
    %dma_wait3A_252 = arith.constant 0 : i32
    %dma_wait3A_253 = arith.constant 0 : i32
    %dma_wait3A_254 = tpu.memref_slice %arg2[%dma_wait3A_252, %dma_wait3A_253] : memref<320000x128xf32, #tpu.memory_space<hbm>> -> memref<128x128xf32, #tpu.memory_space<hbm>>
    tpu.wait_dma2 semaphore(%arg11 : memref<!tpu.dma_semaphore, #tpu.memory_space<semaphore_mem>>) src(%dma_wait3A_254 : memref<128x128xf32, #tpu.memory_space<hbm>>) dst(%dma_wait3A_251 : memref<128x128xf32, #tpu.memory_space<vmem>>)
    %dma_wait3A_255 = arith.constant 2 : i32
    %dma_wait3A_256 = arith.constant 0 : i32
    %dma_wait3A_257 = arith.constant 0 : i32
    %dma_wait3A_258 = tpu.memref_slice %arg7[%dma_wait3A_255, %dma_wait3A_256, %dma_wait3A_257] : memref<3x2x128xi32, #tpu.memory_space<vmem>> -> memref<1x2x128xi32, #tpu.memory_space<vmem>>
    %dma_wait3A_259 = tpu.memref_squeeze %dma_wait3A_258 : memref<1x2x128xi32, #tpu.memory_space<vmem>> -> memref<2x128xi32, #tpu.memory_space<vmem>>
    %dma_wait3A_260 = arith.constant 0 : i32
    %dma_wait3A_261 = arith.constant 0 : i32
    %dma_wait3A_262 = tpu.memref_slice %arg3[%dma_wait3A_260, %dma_wait3A_261] : memref<2x320000xi32, #tpu.memory_space<hbm>> -> memref<2x128xi32, #tpu.memory_space<hbm>>
    %dma_wait3A_263 = arith.constant 0 : i32
    %dma_wait3A_264 = arith.constant 0 : i32
    %dma_wait3A_265 = tpu.memref_slice %arg7[%dma_wait3A_255, %dma_wait3A_263, %dma_wait3A_264] : memref<3x2x128xi32, #tpu.memory_space<vmem>> -> memref<1x2x128xi32, #tpu.memory_space<vmem>>
    %dma_wait3A_266 = tpu.memref_squeeze %dma_wait3A_265 : memref<1x2x128xi32, #tpu.memory_space<vmem>> -> memref<2x128xi32, #tpu.memory_space<vmem>>
    %dma_wait3A_267 = arith.constant 0 : i32
    %dma_wait3A_268 = arith.constant 0 : i32
    %dma_wait3A_269 = tpu.memref_slice %arg3[%dma_wait3A_267, %dma_wait3A_268] : memref<2x320000xi32, #tpu.memory_space<hbm>> -> memref<2x128xi32, #tpu.memory_space<hbm>>
    tpu.wait_dma2 semaphore(%arg14 : memref<!tpu.dma_semaphore, #tpu.memory_space<semaphore_mem>>) src(%dma_wait3A_269 : memref<2x128xi32, #tpu.memory_space<hbm>>) dst(%dma_wait3A_266 : memref<2x128xi32, #tpu.memory_space<vmem>>)
    %dma_wait3A_270 = arith.constant 1 : i32
    %dma_wait3A_271 = arith.constant 1 : i32
    %dma_wait3A_272 = arith.constant 1 : i32
    %dma_wait3A_273 = arith.constant 0 : i32
    %dma_wait3A_274 = arith.constant 0 : i32
    %dma_wait3A_275 = tpu.memref_slice %arg6[%dma_wait3A_270, %dma_wait3A_273, %dma_wait3A_274] : memref<3x128x128xf32, #tpu.memory_space<vmem>> -> memref<1x128x128xf32, #tpu.memory_space<vmem>>
    %dma_wait3A_276 = tpu.memref_squeeze %dma_wait3A_275 : memref<1x128x128xf32, #tpu.memory_space<vmem>> -> memref<128x128xf32, #tpu.memory_space<vmem>>
    %dma_wait3A_277 = arith.constant 0 : i32
    %dma_wait3A_278 = tpu.memref_slice %arg7[%dma_wait3A_271, %dma_wait3A_272, %dma_wait3A_277] : memref<3x2x128xi32, #tpu.memory_space<vmem>> -> memref<1x1x128xi32, #tpu.memory_space<vmem>>
    %dma_wait3A_279 = tpu.memref_squeeze %dma_wait3A_278 : memref<1x1x128xi32, #tpu.memory_space<vmem>> -> memref<128xi32, #tpu.memory_space<vmem>>
    %dma_wait3A_280 = arith.constant 0 : i32
    %dma_wait3A_281 = arith.constant 0 : i32
    %dma_wait3A_282 = tpu.memref_slice %arg8[%dma_wait3A_280, %dma_wait3A_281] : memref<10000x128xf32, #tpu.memory_space<vmem_shared>> -> memref<10000x128xf32, #tpu.memory_space<vmem_shared>>
    tpu.wait_indirect_dma semaphore(%arg16 : memref<!tpu.dma_semaphore, #tpu.memory_space<semaphore_mem>>) src(%dma_wait3A_276 : memref<128x128xf32, #tpu.memory_space<vmem>>) dst(%dma_wait3A_282 : memref<10000x128xf32, #tpu.memory_space<vmem_shared>>)
    %dma_start3A_283 = arith.constant 2 : i32
    %dma_start3A_284 = arith.constant 2 : i32
    %dma_start3A_285 = arith.constant 1 : i32
    %dma_start3A_286 = arith.constant 0 : i32
    %dma_start3A_287 = arith.constant 0 : i32
    %dma_start3A_288 = tpu.memref_slice %arg6[%dma_start3A_283, %dma_start3A_286, %dma_start3A_287] : memref<3x128x128xf32, #tpu.memory_space<vmem>> -> memref<1x128x128xf32, #tpu.memory_space<vmem>>
    %dma_start3A_289 = tpu.memref_squeeze %dma_start3A_288 : memref<1x128x128xf32, #tpu.memory_space<vmem>> -> memref<128x128xf32, #tpu.memory_space<vmem>>
    %dma_start3A_290 = arith.constant 0 : i32
    %dma_start3A_291 = tpu.memref_slice %arg7[%dma_start3A_284, %dma_start3A_285, %dma_start3A_290] : memref<3x2x128xi32, #tpu.memory_space<vmem>> -> memref<1x1x128xi32, #tpu.memory_space<vmem>>
    %dma_start3A_292 = tpu.memref_squeeze %dma_start3A_291 : memref<1x1x128xi32, #tpu.memory_space<vmem>> -> memref<128xi32, #tpu.memory_space<vmem>>
    %dma_start3A_293 = arith.constant 0 : i32
    %dma_start3A_294 = arith.constant 0 : i32
    %dma_start3A_295 = tpu.memref_slice %arg8[%dma_start3A_293, %dma_start3A_294] : memref<10000x128xf32, #tpu.memory_space<vmem_shared>> -> memref<10000x128xf32, #tpu.memory_space<vmem_shared>>
    tpu.enqueue_indirect_dma source(%dma_start3A_289 : memref<128x128xf32, #tpu.memory_space<vmem>>) target(%dma_start3A_295 : memref<10000x128xf32, #tpu.memory_space<vmem_shared>>) offsets(%dma_start3A_292 : memref<128xi32, #tpu.memory_space<vmem>>) semaphore(%arg17 : memref<!tpu.dma_semaphore, #tpu.memory_space<semaphore_mem>>) {add = true}
    %dma_wait3A_296 = arith.constant 0 : i32
    %dma_wait3A_297 = arith.constant 0 : i32
    %dma_wait3A_298 = arith.constant 0 : i32
    %dma_wait3A_299 = tpu.memref_slice %arg6[%dma_wait3A_296, %dma_wait3A_297, %dma_wait3A_298] : memref<3x128x128xf32, #tpu.memory_space<vmem>> -> memref<1x128x128xf32, #tpu.memory_space<vmem>>
    %dma_wait3A_300 = tpu.memref_squeeze %dma_wait3A_299 : memref<1x128x128xf32, #tpu.memory_space<vmem>> -> memref<128x128xf32, #tpu.memory_space<vmem>>
    %dma_wait3A_301 = arith.constant 0 : i32
    %dma_wait3A_302 = arith.constant 0 : i32
    %dma_wait3A_303 = tpu.memref_slice %arg2[%dma_wait3A_301, %dma_wait3A_302] : memref<320000x128xf32, #tpu.memory_space<hbm>> -> memref<128x128xf32, #tpu.memory_space<hbm>>
    %dma_wait3A_304 = arith.constant 0 : i32
    %dma_wait3A_305 = arith.constant 0 : i32
    %dma_wait3A_306 = tpu.memref_slice %arg6[%dma_wait3A_296, %dma_wait3A_304, %dma_wait3A_305] : memref<3x128x128xf32, #tpu.memory_space<vmem>> -> memref<1x128x128xf32, #tpu.memory_space<vmem>>
    %dma_wait3A_307 = tpu.memref_squeeze %dma_wait3A_306 : memref<1x128x128xf32, #tpu.memory_space<vmem>> -> memref<128x128xf32, #tpu.memory_space<vmem>>
    %dma_wait3A_308 = arith.constant 0 : i32
    %dma_wait3A_309 = arith.constant 0 : i32
    %dma_wait3A_310 = tpu.memref_slice %arg2[%dma_wait3A_308, %dma_wait3A_309] : memref<320000x128xf32, #tpu.memory_space<hbm>> -> memref<128x128xf32, #tpu.memory_space<hbm>>
    tpu.wait_dma2 semaphore(%arg9 : memref<!tpu.dma_semaphore, #tpu.memory_space<semaphore_mem>>) src(%dma_wait3A_310 : memref<128x128xf32, #tpu.memory_space<hbm>>) dst(%dma_wait3A_307 : memref<128x128xf32, #tpu.memory_space<vmem>>)
    %dma_wait3A_311 = arith.constant 0 : i32
    %dma_wait3A_312 = arith.constant 0 : i32
    %dma_wait3A_313 = arith.constant 0 : i32
    %dma_wait3A_314 = tpu.memref_slice %arg7[%dma_wait3A_311, %dma_wait3A_312, %dma_wait3A_313] : memref<3x2x128xi32, #tpu.memory_space<vmem>> -> memref<1x2x128xi32, #tpu.memory_space<vmem>>
    %dma_wait3A_315 = tpu.memref_squeeze %dma_wait3A_314 : memref<1x2x128xi32, #tpu.memory_space<vmem>> -> memref<2x128xi32, #tpu.memory_space<vmem>>
    %dma_wait3A_316 = arith.constant 0 : i32
    %dma_wait3A_317 = arith.constant 0 : i32
    %dma_wait3A_318 = tpu.memref_slice %arg3[%dma_wait3A_316, %dma_wait3A_317] : memref<2x320000xi32, #tpu.memory_space<hbm>> -> memref<2x128xi32, #tpu.memory_space<hbm>>
    %dma_wait3A_319 = arith.constant 0 : i32
    %dma_wait3A_320 = arith.constant 0 : i32
    %dma_wait3A_321 = tpu.memref_slice %arg7[%dma_wait3A_311, %dma_wait3A_319, %dma_wait3A_320] : memref<3x2x128xi32, #tpu.memory_space<vmem>> -> memref<1x2x128xi32, #tpu.memory_space<vmem>>
    %dma_wait3A_322 = tpu.memref_squeeze %dma_wait3A_321 : memref<1x2x128xi32, #tpu.memory_space<vmem>> -> memref<2x128xi32, #tpu.memory_space<vmem>>
    %dma_wait3A_323 = arith.constant 0 : i32
    %dma_wait3A_324 = arith.constant 0 : i32
    %dma_wait3A_325 = tpu.memref_slice %arg3[%dma_wait3A_323, %dma_wait3A_324] : memref<2x320000xi32, #tpu.memory_space<hbm>> -> memref<2x128xi32, #tpu.memory_space<hbm>>
    tpu.wait_dma2 semaphore(%arg12 : memref<!tpu.dma_semaphore, #tpu.memory_space<semaphore_mem>>) src(%dma_wait3A_325 : memref<2x128xi32, #tpu.memory_space<hbm>>) dst(%dma_wait3A_322 : memref<2x128xi32, #tpu.memory_space<vmem>>)
    %lt3A_326 = arith.constant 4 : i32
    %lt3A_327 = arith.cmpi slt, %add3A, %lt3A_326 : i32
    %convert_element_type3A_328 = arith.extui %lt3A_327 : i1 to i32
    %cond3A_329 = arith.constant 0 : i32
    %cond3A_330 = arith.cmpi ne, %convert_element_type3A_328, %cond3A_329 : i32
    scf.if %cond3A_330 {
      %add3A_346 = arith.constant 2496 : i32
      %add3A_347 = arith.addi %add3A_346, %add3A : i32
      %mul3A_348 = arith.constant 128 : i32
      %mul3A_349 = arith.muli %add3A_347, %mul3A_348 : i32
      %multiple_of3A_350 = tpu.assume_multiple %mul3A_349, 128 : i32
      %dma_start3A_351 = arith.constant 0 : i32
      %dma_start3A_352 = arith.constant 0 : i32
      %dma_start3A_353 = arith.constant 0 : i32
      %dma_start3A_354 = tpu.memref_slice %arg6[%dma_start3A_351, %dma_start3A_352, %dma_start3A_353] : memref<3x128x128xf32, #tpu.memory_space<vmem>> -> memref<1x128x128xf32, #tpu.memory_space<vmem>>
      %dma_start3A_355 = tpu.memref_squeeze %dma_start3A_354 : memref<1x128x128xf32, #tpu.memory_space<vmem>> -> memref<128x128xf32, #tpu.memory_space<vmem>>
      %dma_start3A_356 = arith.constant 0 : i32
      %dma_start3A_357 = tpu.memref_slice %arg2[%multiple_of3A_350, %dma_start3A_356] : memref<320000x128xf32, #tpu.memory_space<hbm>> -> memref<128x128xf32, #tpu.memory_space<hbm>>
      %dma_start3A_358 = arith.constant 0 : i32
      %dma_start3A_359 = arith.constant 0 : i32
      %dma_start3A_360 = tpu.memref_slice %arg6[%dma_start3A_351, %dma_start3A_358, %dma_start3A_359] : memref<3x128x128xf32, #tpu.memory_space<vmem>> -> memref<1x128x128xf32, #tpu.memory_space<vmem>>
      %dma_start3A_361 = tpu.memref_squeeze %dma_start3A_360 : memref<1x128x128xf32, #tpu.memory_space<vmem>> -> memref<128x128xf32, #tpu.memory_space<vmem>>
      %dma_start3A_362 = arith.constant 0 : i32
      %dma_start3A_363 = tpu.memref_slice %arg2[%multiple_of3A_350, %dma_start3A_362] : memref<320000x128xf32, #tpu.memory_space<hbm>> -> memref<128x128xf32, #tpu.memory_space<hbm>>
      tpu.enqueue_dma source(%dma_start3A_363 : memref<128x128xf32, #tpu.memory_space<hbm>>) target(%dma_start3A_361 : memref<128x128xf32, #tpu.memory_space<vmem>>) target_semaphore(%arg9 : memref<!tpu.dma_semaphore, #tpu.memory_space<semaphore_mem>>)
      %dma_start3A_364 = arith.constant 0 : i32
      %dma_start3A_365 = arith.constant 0 : i32
      %dma_start3A_366 = arith.constant 0 : i32
      %dma_start3A_367 = tpu.memref_slice %arg7[%dma_start3A_364, %dma_start3A_365, %dma_start3A_366] : memref<3x2x128xi32, #tpu.memory_space<vmem>> -> memref<1x2x128xi32, #tpu.memory_space<vmem>>
      %dma_start3A_368 = tpu.memref_squeeze %dma_start3A_367 : memref<1x2x128xi32, #tpu.memory_space<vmem>> -> memref<2x128xi32, #tpu.memory_space<vmem>>
      %dma_start3A_369 = arith.constant 0 : i32
      %dma_start3A_370 = tpu.memref_slice %arg3[%dma_start3A_369, %multiple_of3A_350] : memref<2x320000xi32, #tpu.memory_space<hbm>> -> memref<2x128xi32, #tpu.memory_space<hbm>>
      %dma_start3A_371 = arith.constant 0 : i32
      %dma_start3A_372 = arith.constant 0 : i32
      %dma_start3A_373 = tpu.memref_slice %arg7[%dma_start3A_364, %dma_start3A_371, %dma_start3A_372] : memref<3x2x128xi32, #tpu.memory_space<vmem>> -> memref<1x2x128xi32, #tpu.memory_space<vmem>>
      %dma_start3A_374 = tpu.memref_squeeze %dma_start3A_373 : memref<1x2x128xi32, #tpu.memory_space<vmem>> -> memref<2x128xi32, #tpu.memory_space<vmem>>
      %dma_start3A_375 = arith.constant 0 : i32
      %dma_start3A_376 = tpu.memref_slice %arg3[%dma_start3A_375, %multiple_of3A_350] : memref<2x320000xi32, #tpu.memory_space<hbm>> -> memref<2x128xi32, #tpu.memory_space<hbm>>
      tpu.enqueue_dma source(%dma_start3A_376 : memref<2x128xi32, #tpu.memory_space<hbm>>) target(%dma_start3A_374 : memref<2x128xi32, #tpu.memory_space<vmem>>) target_semaphore(%arg12 : memref<!tpu.dma_semaphore, #tpu.memory_space<semaphore_mem>>)
      %dma_wait3A_377 = arith.constant 0 : i32
      %dma_wait3A_378 = arith.constant 0 : i32
      %dma_wait3A_379 = arith.constant 0 : i32
      %dma_wait3A_380 = tpu.memref_slice %arg6[%dma_wait3A_377, %dma_wait3A_378, %dma_wait3A_379] : memref<3x128x128xf32, #tpu.memory_space<vmem>> -> memref<1x128x128xf32, #tpu.memory_space<vmem>>
      %dma_wait3A_381 = tpu.memref_squeeze %dma_wait3A_380 : memref<1x128x128xf32, #tpu.memory_space<vmem>> -> memref<128x128xf32, #tpu.memory_space<vmem>>
      %dma_wait3A_382 = arith.constant 0 : i32
      %dma_wait3A_383 = arith.constant 0 : i32
      %dma_wait3A_384 = tpu.memref_slice %arg2[%dma_wait3A_382, %dma_wait3A_383] : memref<320000x128xf32, #tpu.memory_space<hbm>> -> memref<128x128xf32, #tpu.memory_space<hbm>>
      %dma_wait3A_385 = arith.constant 0 : i32
      %dma_wait3A_386 = arith.constant 0 : i32
      %dma_wait3A_387 = tpu.memref_slice %arg6[%dma_wait3A_377, %dma_wait3A_385, %dma_wait3A_386] : memref<3x128x128xf32, #tpu.memory_space<vmem>> -> memref<1x128x128xf32, #tpu.memory_space<vmem>>
      %dma_wait3A_388 = tpu.memref_squeeze %dma_wait3A_387 : memref<1x128x128xf32, #tpu.memory_space<vmem>> -> memref<128x128xf32, #tpu.memory_space<vmem>>
      %dma_wait3A_389 = arith.constant 0 : i32
      %dma_wait3A_390 = arith.constant 0 : i32
      %dma_wait3A_391 = tpu.memref_slice %arg2[%dma_wait3A_389, %dma_wait3A_390] : memref<320000x128xf32, #tpu.memory_space<hbm>> -> memref<128x128xf32, #tpu.memory_space<hbm>>
      tpu.wait_dma2 semaphore(%arg9 : memref<!tpu.dma_semaphore, #tpu.memory_space<semaphore_mem>>) src(%dma_wait3A_391 : memref<128x128xf32, #tpu.memory_space<hbm>>) dst(%dma_wait3A_388 : memref<128x128xf32, #tpu.memory_space<vmem>>)
      %dma_wait3A_392 = arith.constant 0 : i32
      %dma_wait3A_393 = arith.constant 0 : i32
      %dma_wait3A_394 = arith.constant 0 : i32
      %dma_wait3A_395 = tpu.memref_slice %arg7[%dma_wait3A_392, %dma_wait3A_393, %dma_wait3A_394] : memref<3x2x128xi32, #tpu.memory_space<vmem>> -> memref<1x2x128xi32, #tpu.memory_space<vmem>>
      %dma_wait3A_396 = tpu.memref_squeeze %dma_wait3A_395 : memref<1x2x128xi32, #tpu.memory_space<vmem>> -> memref<2x128xi32, #tpu.memory_space<vmem>>
      %dma_wait3A_397 = arith.constant 0 : i32
      %dma_wait3A_398 = arith.constant 0 : i32
      %dma_wait3A_399 = tpu.memref_slice %arg3[%dma_wait3A_397, %dma_wait3A_398] : memref<2x320000xi32, #tpu.memory_space<hbm>> -> memref<2x128xi32, #tpu.memory_space<hbm>>
      %dma_wait3A_400 = arith.constant 0 : i32
      %dma_wait3A_401 = arith.constant 0 : i32
      %dma_wait3A_402 = tpu.memref_slice %arg7[%dma_wait3A_392, %dma_wait3A_400, %dma_wait3A_401] : memref<3x2x128xi32, #tpu.memory_space<vmem>> -> memref<1x2x128xi32, #tpu.memory_space<vmem>>
      %dma_wait3A_403 = tpu.memref_squeeze %dma_wait3A_402 : memref<1x2x128xi32, #tpu.memory_space<vmem>> -> memref<2x128xi32, #tpu.memory_space<vmem>>
      %dma_wait3A_404 = arith.constant 0 : i32
      %dma_wait3A_405 = arith.constant 0 : i32
      %dma_wait3A_406 = tpu.memref_slice %arg3[%dma_wait3A_404, %dma_wait3A_405] : memref<2x320000xi32, #tpu.memory_space<hbm>> -> memref<2x128xi32, #tpu.memory_space<hbm>>
      tpu.wait_dma2 semaphore(%arg12 : memref<!tpu.dma_semaphore, #tpu.memory_space<semaphore_mem>>) src(%dma_wait3A_406 : memref<2x128xi32, #tpu.memory_space<hbm>>) dst(%dma_wait3A_403 : memref<2x128xi32, #tpu.memory_space<vmem>>)
      %dma_wait3A_407 = arith.constant 2 : i32
      %dma_wait3A_408 = arith.constant 2 : i32
      %dma_wait3A_409 = arith.constant 1 : i32
      %dma_wait3A_410 = arith.constant 0 : i32
      %dma_wait3A_411 = arith.constant 0 : i32
      %dma_wait3A_412 = tpu.memref_slice %arg6[%dma_wait3A_407, %dma_wait3A_410, %dma_wait3A_411] : memref<3x128x128xf32, #tpu.memory_space<vmem>> -> memref<1x128x128xf32, #tpu.memory_space<vmem>>
      %dma_wait3A_413 = tpu.memref_squeeze %dma_wait3A_412 : memref<1x128x128xf32, #tpu.memory_space<vmem>> -> memref<128x128xf32, #tpu.memory_space<vmem>>
      %dma_wait3A_414 = arith.constant 0 : i32
      %dma_wait3A_415 = tpu.memref_slice %arg7[%dma_wait3A_408, %dma_wait3A_409, %dma_wait3A_414] : memref<3x2x128xi32, #tpu.memory_space<vmem>> -> memref<1x1x128xi32, #tpu.memory_space<vmem>>
      %dma_wait3A_416 = tpu.memref_squeeze %dma_wait3A_415 : memref<1x1x128xi32, #tpu.memory_space<vmem>> -> memref<128xi32, #tpu.memory_space<vmem>>
      %dma_wait3A_417 = arith.constant 0 : i32
      %dma_wait3A_418 = arith.constant 0 : i32
      %dma_wait3A_419 = tpu.memref_slice %arg8[%dma_wait3A_417, %dma_wait3A_418] : memref<10000x128xf32, #tpu.memory_space<vmem_shared>> -> memref<10000x128xf32, #tpu.memory_space<vmem_shared>>
      tpu.wait_indirect_dma semaphore(%arg17 : memref<!tpu.dma_semaphore, #tpu.memory_space<semaphore_mem>>) src(%dma_wait3A_413 : memref<128x128xf32, #tpu.memory_space<vmem>>) dst(%dma_wait3A_419 : memref<10000x128xf32, #tpu.memory_space<vmem_shared>>)
      %dma_start3A_420 = arith.constant 0 : i32
      %dma_start3A_421 = arith.constant 0 : i32
      %dma_start3A_422 = arith.constant 1 : i32
      %dma_start3A_423 = arith.constant 0 : i32
      %dma_start3A_424 = arith.constant 0 : i32
      %dma_start3A_425 = tpu.memref_slice %arg6[%dma_start3A_420, %dma_start3A_423, %dma_start3A_424] : memref<3x128x128xf32, #tpu.memory_space<vmem>> -> memref<1x128x128xf32, #tpu.memory_space<vmem>>
      %dma_start3A_426 = tpu.memref_squeeze %dma_start3A_425 : memref<1x128x128xf32, #tpu.memory_space<vmem>> -> memref<128x128xf32, #tpu.memory_space<vmem>>
      %dma_start3A_427 = arith.constant 0 : i32
      %dma_start3A_428 = tpu.memref_slice %arg7[%dma_start3A_421, %dma_start3A_422, %dma_start3A_427] : memref<3x2x128xi32, #tpu.memory_space<vmem>> -> memref<1x1x128xi32, #tpu.memory_space<vmem>>
      %dma_start3A_429 = tpu.memref_squeeze %dma_start3A_428 : memref<1x1x128xi32, #tpu.memory_space<vmem>> -> memref<128xi32, #tpu.memory_space<vmem>>
      %dma_start3A_430 = arith.constant 0 : i32
      %dma_start3A_431 = arith.constant 0 : i32
      %dma_start3A_432 = tpu.memref_slice %arg8[%dma_start3A_430, %dma_start3A_431] : memref<10000x128xf32, #tpu.memory_space<vmem_shared>> -> memref<10000x128xf32, #tpu.memory_space<vmem_shared>>
      tpu.enqueue_indirect_dma source(%dma_start3A_426 : memref<128x128xf32, #tpu.memory_space<vmem>>) target(%dma_start3A_432 : memref<10000x128xf32, #tpu.memory_space<vmem_shared>>) offsets(%dma_start3A_429 : memref<128xi32, #tpu.memory_space<vmem>>) semaphore(%arg15 : memref<!tpu.dma_semaphore, #tpu.memory_space<semaphore_mem>>) {add = true}
      %dma_wait3A_433 = arith.constant 0 : i32
      %dma_wait3A_434 = arith.constant 0 : i32
      %dma_wait3A_435 = arith.constant 1 : i32
      %dma_wait3A_436 = arith.constant 0 : i32
      %dma_wait3A_437 = arith.constant 0 : i32
      %dma_wait3A_438 = tpu.memref_slice %arg6[%dma_wait3A_433, %dma_wait3A_436, %dma_wait3A_437] : memref<3x128x128xf32, #tpu.memory_space<vmem>> -> memref<1x128x128xf32, #tpu.memory_space<vmem>>
      %dma_wait3A_439 = tpu.memref_squeeze %dma_wait3A_438 : memref<1x128x128xf32, #tpu.memory_space<vmem>> -> memref<128x128xf32, #tpu.memory_space<vmem>>
      %dma_wait3A_440 = arith.constant 0 : i32
      %dma_wait3A_441 = tpu.memref_slice %arg7[%dma_wait3A_434, %dma_wait3A_435, %dma_wait3A_440] : memref<3x2x128xi32, #tpu.memory_space<vmem>> -> memref<1x1x128xi32, #tpu.memory_space<vmem>>
      %dma_wait3A_442 = tpu.memref_squeeze %dma_wait3A_441 : memref<1x1x128xi32, #tpu.memory_space<vmem>> -> memref<128xi32, #tpu.memory_space<vmem>>
      %dma_wait3A_443 = arith.constant 0 : i32
      %dma_wait3A_444 = arith.constant 0 : i32
      %dma_wait3A_445 = tpu.memref_slice %arg8[%dma_wait3A_443, %dma_wait3A_444] : memref<10000x128xf32, #tpu.memory_space<vmem_shared>> -> memref<10000x128xf32, #tpu.memory_space<vmem_shared>>
      tpu.wait_indirect_dma semaphore(%arg15 : memref<!tpu.dma_semaphore, #tpu.memory_space<semaphore_mem>>) src(%dma_wait3A_439 : memref<128x128xf32, #tpu.memory_space<vmem>>) dst(%dma_wait3A_445 : memref<10000x128xf32, #tpu.memory_space<vmem_shared>>)
    } else {
    }
    %ge3A = arith.constant 4 : i32
    %ge3A_331 = arith.cmpi sge, %add3A, %ge3A : i32
    %convert_element_type3A_332 = arith.extui %ge3A_331 : i1 to i32
    %cond3A_333 = arith.constant 0 : i32
    %cond3A_334 = arith.cmpi ne, %convert_element_type3A_332, %cond3A_333 : i32
    scf.if %cond3A_334 {
      %dma_wait3A_346 = arith.constant 2 : i32
      %dma_wait3A_347 = arith.constant 2 : i32
      %dma_wait3A_348 = arith.constant 1 : i32
      %dma_wait3A_349 = arith.constant 0 : i32
      %dma_wait3A_350 = arith.constant 0 : i32
      %dma_wait3A_351 = tpu.memref_slice %arg6[%dma_wait3A_346, %dma_wait3A_349, %dma_wait3A_350] : memref<3x128x128xf32, #tpu.memory_space<vmem>> -> memref<1x128x128xf32, #tpu.memory_space<vmem>>
      %dma_wait3A_352 = tpu.memref_squeeze %dma_wait3A_351 : memref<1x128x128xf32, #tpu.memory_space<vmem>> -> memref<128x128xf32, #tpu.memory_space<vmem>>
      %dma_wait3A_353 = arith.constant 0 : i32
      %dma_wait3A_354 = tpu.memref_slice %arg7[%dma_wait3A_347, %dma_wait3A_348, %dma_wait3A_353] : memref<3x2x128xi32, #tpu.memory_space<vmem>> -> memref<1x1x128xi32, #tpu.memory_space<vmem>>
      %dma_wait3A_355 = tpu.memref_squeeze %dma_wait3A_354 : memref<1x1x128xi32, #tpu.memory_space<vmem>> -> memref<128xi32, #tpu.memory_space<vmem>>
      %dma_wait3A_356 = arith.constant 0 : i32
      %dma_wait3A_357 = arith.constant 0 : i32
      %dma_wait3A_358 = tpu.memref_slice %arg8[%dma_wait3A_356, %dma_wait3A_357] : memref<10000x128xf32, #tpu.memory_space<vmem_shared>> -> memref<10000x128xf32, #tpu.memory_space<vmem_shared>>
      tpu.wait_indirect_dma semaphore(%arg17 : memref<!tpu.dma_semaphore, #tpu.memory_space<semaphore_mem>>) src(%dma_wait3A_352 : memref<128x128xf32, #tpu.memory_space<vmem>>) dst(%dma_wait3A_358 : memref<10000x128xf32, #tpu.memory_space<vmem_shared>>)
    } else {
    }
    %barrier3A_335 = arith.constant 0 : index
    tpu.barrier barrier_id(%barrier3A_335)
    %lt3A_336 = arith.constant 15 : i32
    %lt3A_337 = arith.cmpi slt, %arg1, %lt3A_336 : i32
    %convert_element_type3A_338 = arith.extui %lt3A_337 : i1 to i32
    %cond3A_339 = arith.constant 0 : i32
    %cond3A_340 = arith.cmpi ne, %convert_element_type3A_338, %cond3A_339 : i32
    scf.if %cond3A_340 {
      "tpu.region"() ({
        %run_scoped3A = tpu.sem_alloc : memref<!tpu.dma_semaphore, #tpu.memory_space<semaphore_mem>>
        %dma_start3A_346 = arith.constant 0 : i32
        %dma_start3A_347 = tpu.memref_slice %arg5[%arg0, %multiple_of3A, %dma_start3A_346] : memref<2x10000x128xf32, #tpu.memory_space<hbm>> -> memref<1x624x128xf32, #tpu.memory_space<hbm>>
        %dma_start3A_348 = tpu.memref_squeeze %dma_start3A_347 : memref<1x624x128xf32, #tpu.memory_space<hbm>> -> memref<624x128xf32, #tpu.memory_space<hbm>>
        %dma_start3A_349 = arith.constant 0 : i32
        %dma_start3A_350 = tpu.memref_slice %arg8[%multiple_of3A, %dma_start3A_349] : memref<10000x128xf32, #tpu.memory_space<vmem_shared>> -> memref<624x128xf32, #tpu.memory_space<vmem_shared>>
        tpu.enqueue_dma source(%dma_start3A_350 : memref<624x128xf32, #tpu.memory_space<vmem_shared>>) target(%dma_start3A_348 : memref<624x128xf32, #tpu.memory_space<hbm>>) target_semaphore(%run_scoped3A : memref<!tpu.dma_semaphore, #tpu.memory_space<semaphore_mem>>)
        %dma_wait3A_351 = arith.constant 0 : i32
        %dma_wait3A_352 = tpu.memref_slice %arg5[%arg0, %multiple_of3A, %dma_wait3A_351] : memref<2x10000x128xf32, #tpu.memory_space<hbm>> -> memref<1x624x128xf32, #tpu.memory_space<hbm>>
        %dma_wait3A_353 = tpu.memref_squeeze %dma_wait3A_352 : memref<1x624x128xf32, #tpu.memory_space<hbm>> -> memref<624x128xf32, #tpu.memory_space<hbm>>
        %dma_wait3A_354 = arith.constant 0 : i32
        %dma_wait3A_355 = tpu.memref_slice %arg8[%multiple_of3A, %dma_wait3A_354] : memref<10000x128xf32, #tpu.memory_space<vmem_shared>> -> memref<624x128xf32, #tpu.memory_space<vmem_shared>>
        tpu.wait_dma2 semaphore(%run_scoped3A : memref<!tpu.dma_semaphore, #tpu.memory_space<semaphore_mem>>) src(%dma_wait3A_355 : memref<624x128xf32, #tpu.memory_space<vmem_shared>>) dst(%dma_wait3A_353 : memref<624x128xf32, #tpu.memory_space<hbm>>)
        tpu.yield
      }) : () -> ()
    } else {
    }
    %eq3A_341 = arith.constant 15 : i32
    %eq3A_342 = arith.cmpi eq, %arg1, %eq3A_341 : i32
    %convert_element_type3A_343 = arith.extui %eq3A_342 : i1 to i32
    %cond3A_344 = arith.constant 0 : i32
    %cond3A_345 = arith.cmpi ne, %convert_element_type3A_343, %cond3A_344 : i32
    scf.if %cond3A_345 {
      "tpu.region"() ({
        %run_scoped3A = tpu.sem_alloc : memref<!tpu.dma_semaphore, #tpu.memory_space<semaphore_mem>>
        %dma_start3A_346 = arith.constant 9360 : i32
        %dma_start3A_347 = arith.constant 0 : i32
        %dma_start3A_348 = tpu.memref_slice %arg5[%arg0, %dma_start3A_346, %dma_start3A_347] : memref<2x10000x128xf32, #tpu.memory_space<hbm>> -> memref<1x640x128xf32, #tpu.memory_space<hbm>>
        %dma_start3A_349 = tpu.memref_squeeze %dma_start3A_348 : memref<1x640x128xf32, #tpu.memory_space<hbm>> -> memref<640x128xf32, #tpu.memory_space<hbm>>
        %dma_start3A_350 = arith.constant 9360 : i32
        %dma_start3A_351 = arith.constant 0 : i32
        %dma_start3A_352 = tpu.memref_slice %arg8[%dma_start3A_350, %dma_start3A_351] : memref<10000x128xf32, #tpu.memory_space<vmem_shared>> -> memref<640x128xf32, #tpu.memory_space<vmem_shared>>
        tpu.enqueue_dma source(%dma_start3A_352 : memref<640x128xf32, #tpu.memory_space<vmem_shared>>) target(%dma_start3A_349 : memref<640x128xf32, #tpu.memory_space<hbm>>) target_semaphore(%run_scoped3A : memref<!tpu.dma_semaphore, #tpu.memory_space<semaphore_mem>>)
        %dma_wait3A_353 = arith.constant 9360 : i32
        %dma_wait3A_354 = arith.constant 0 : i32
        %dma_wait3A_355 = tpu.memref_slice %arg5[%arg0, %dma_wait3A_353, %dma_wait3A_354] : memref<2x10000x128xf32, #tpu.memory_space<hbm>> -> memref<1x640x128xf32, #tpu.memory_space<hbm>>
        %dma_wait3A_356 = tpu.memref_squeeze %dma_wait3A_355 : memref<1x640x128xf32, #tpu.memory_space<hbm>> -> memref<640x128xf32, #tpu.memory_space<hbm>>
        %dma_wait3A_357 = arith.constant 9360 : i32
        %dma_wait3A_358 = arith.constant 0 : i32
        %dma_wait3A_359 = tpu.memref_slice %arg8[%dma_wait3A_357, %dma_wait3A_358] : memref<10000x128xf32, #tpu.memory_space<vmem_shared>> -> memref<640x128xf32, #tpu.memory_space<vmem_shared>>
        tpu.wait_dma2 semaphore(%run_scoped3A : memref<!tpu.dma_semaphore, #tpu.memory_space<semaphore_mem>>) src(%dma_wait3A_359 : memref<640x128xf32, #tpu.memory_space<vmem_shared>>) dst(%dma_wait3A_356 : memref<640x128xf32, #tpu.memory_space<hbm>>)
        tpu.yield
      }) : () -> ()
    } else {
    }
    return
  }
}

module attributes {stable_mosaic.version = 14 : i64} {
  func.func @body(%arg0: i32, %arg1: memref<5000x128xf32, #tpu.memory_space<vmem>>, %arg2: memref<1x5000x128xf32, #tpu.memory_space<vmem>>, %arg3: memref<1x5000x128xf32, #tpu.memory_space<vmem>>, %arg4: memref<256x256xf32, #tpu.memory_space<vmem>>, %arg5: memref<256x256xf32, #tpu.memory_space<vmem>>, %arg6: memref<256x256xf32, #tpu.memory_space<vmem>>, %arg7: memref<128x256xf32, #tpu.memory_space<vmem>>, %arg8: memref<1x256xf32, #tpu.memory_space<vmem>>, %arg9: memref<1x256xf32, #tpu.memory_space<vmem>>, %arg10: memref<1x256xf32, #tpu.memory_space<vmem>>, %arg11: memref<1x128xf32, #tpu.memory_space<vmem>>, %arg12: memref<1x128xf32, #tpu.memory_space<vmem>>, %arg13: memref<1x128xf32, #tpu.memory_space<vmem>>, %arg14: memref<5000x128xf32, #tpu.memory_space<vmem>>) attributes {dimension_semantics = [#tpu.dimension_semantics<arbitrary>], iteration_bounds = array<i64: 2>, scalar_prefetch = 0 : i64, scratch_operands = 0 : i64, tpu.core_type = #tpu.core_type<tc>, window_params = [{transform_indices = @transform_0, window_bounds = array<i64: 5000, 128>}, {transform_indices = @transform_1, window_bounds = array<i64: 1, 5000, 128>}, {transform_indices = @transform_2, window_bounds = array<i64: 1, 5000, 128>}, {pipeline_mode = #tpu.pipeline_mode<synchronous>, transform_indices = @transform_3, window_bounds = array<i64: 256, 256>}, {pipeline_mode = #tpu.pipeline_mode<synchronous>, transform_indices = @transform_4, window_bounds = array<i64: 256, 256>}, {pipeline_mode = #tpu.pipeline_mode<synchronous>, transform_indices = @transform_5, window_bounds = array<i64: 256, 256>}, {pipeline_mode = #tpu.pipeline_mode<synchronous>, transform_indices = @transform_6, window_bounds = array<i64: 128, 256>}, {pipeline_mode = #tpu.pipeline_mode<synchronous>, transform_indices = @transform_7, window_bounds = array<i64: 1, 256>}, {pipeline_mode = #tpu.pipeline_mode<synchronous>, transform_indices = @transform_8, window_bounds = array<i64: 1, 256>}, {pipeline_mode = #tpu.pipeline_mode<synchronous>, transform_indices = @transform_9, window_bounds = array<i64: 1, 256>}, {pipeline_mode = #tpu.pipeline_mode<synchronous>, transform_indices = @transform_10, window_bounds = array<i64: 1, 128>}, {pipeline_mode = #tpu.pipeline_mode<synchronous>, transform_indices = @transform_11, window_bounds = array<i64: 1, 128>}, {pipeline_mode = #tpu.pipeline_mode<synchronous>, transform_indices = @transform_12, window_bounds = array<i64: 1, 128>}, {transform_indices = @transform_13, window_bounds = array<i64: 5000, 128>}]} {
    %get3A = arith.constant 0 : index
    %get3A_0 = arith.constant 0 : index
    %get3A_1 = arith.constant 0 : index
    %get3A_2 = vector.load %arg2[%get3A, %get3A_0, %get3A_1] : memref<1x5000x128xf32, #tpu.memory_space<vmem>>, vector<1x5000x128xf32>
    %get3A_3 = vector.shape_cast %get3A_2 : vector<1x5000x128xf32> to vector<5000x128xf32>
    %get3A_4 = arith.constant 0 : index
    %get3A_5 = arith.constant 0 : index
    %get3A_6 = arith.constant 0 : index
    %get3A_7 = vector.load %arg3[%get3A_4, %get3A_5, %get3A_6] : memref<1x5000x128xf32, #tpu.memory_space<vmem>>, vector<1x5000x128xf32>
    %get3A_8 = vector.shape_cast %get3A_7 : vector<1x5000x128xf32> to vector<5000x128xf32>
    %add3A = arith.addf %get3A_3, %get3A_8 : vector<5000x128xf32>
    %get3A_9 = arith.constant 0 : index
    %get3A_10 = arith.constant 0 : index
    %get3A_11 = vector.load %arg4[%get3A_9, %get3A_10] : memref<256x256xf32, #tpu.memory_space<vmem>>, vector<256x256xf32>
    %get3A_12 = arith.constant 0 : index
    %get3A_13 = arith.constant 0 : index
    %get3A_14 = vector.load %arg1[%get3A_12, %get3A_13] : memref<5000x128xf32, #tpu.memory_space<vmem>>, vector<5000x128xf32>
    %slice3A = vector.extract_strided_slice %get3A_11 {offsets = [0, 0], sizes = [256, 128], strides = [1, 1]} : vector<256x256xf32> to vector<256x128xf32>
    %dot_general3A = arith.constant dense<0.000000e+00> : vector<5000x256xf32>
    %dot_general3A_15 = tpu.matmul %get3A_14, %slice3A, %dot_general3A {dimension_numbers = #tpu.dot_dimension_numbers<[1], [1], [0], [0], [0, 0, 1, 0], [], []>, transpose_lhs_hint = false} : vector<5000x128xf32>, vector<256x128xf32>, vector<5000x256xf32> -> vector<5000x256xf32>
    %slice3A_16 = vector.extract_strided_slice %get3A_11 {offsets = [0, 128], sizes = [256, 128], strides = [1, 1]} : vector<256x256xf32> to vector<256x128xf32>
    %dot_general3A_17 = arith.constant dense<0.000000e+00> : vector<5000x256xf32>
    %dot_general3A_18 = tpu.matmul %add3A, %slice3A_16, %dot_general3A_17 {dimension_numbers = #tpu.dot_dimension_numbers<[1], [1], [0], [0], [0, 0, 1, 0], [], []>, transpose_lhs_hint = false} : vector<5000x128xf32>, vector<256x128xf32>, vector<5000x256xf32> -> vector<5000x256xf32>
    %add3A_19 = arith.addf %dot_general3A_15, %dot_general3A_18 : vector<5000x256xf32>
    %get3A_20 = arith.constant 0 : index
    %get3A_21 = arith.constant 0 : index
    %get3A_22 = vector.load %arg8[%get3A_20, %get3A_21] : memref<1x256xf32, #tpu.memory_space<vmem>>, vector<1x256xf32>
    %add3A_23 = vector.broadcast %get3A_22 : vector<1x256xf32> to vector<5000x256xf32>
    %add3A_24 = arith.addf %add3A_19, %add3A_23 : vector<5000x256xf32>
    %max3A = arith.constant 0.000000e+00 : f32
    %max3A_25 = vector.broadcast %max3A : f32 to vector<5000x256xf32>
    %max3A_26 = arith.maximumf %add3A_24, %max3A_25 : vector<5000x256xf32>
    %get3A_27 = arith.constant 0 : index
    %get3A_28 = arith.constant 0 : index
    %get3A_29 = vector.load %arg5[%get3A_27, %get3A_28] : memref<256x256xf32, #tpu.memory_space<vmem>>, vector<256x256xf32>
    %dot_general3A_30 = arith.constant dense<0.000000e+00> : vector<5000x256xf32>
    %dot_general3A_31 = tpu.matmul %max3A_26, %get3A_29, %dot_general3A_30 {dimension_numbers = #tpu.dot_dimension_numbers<[1], [1], [0], [0], [0, 0, 1, 0], [], []>, transpose_lhs_hint = false} : vector<5000x256xf32>, vector<256x256xf32>, vector<5000x256xf32> -> vector<5000x256xf32>
    %get3A_32 = arith.constant 0 : index
    %get3A_33 = arith.constant 0 : index
    %get3A_34 = vector.load %arg9[%get3A_32, %get3A_33] : memref<1x256xf32, #tpu.memory_space<vmem>>, vector<1x256xf32>
    %add3A_35 = vector.broadcast %get3A_34 : vector<1x256xf32> to vector<5000x256xf32>
    %add3A_36 = arith.addf %dot_general3A_31, %add3A_35 : vector<5000x256xf32>
    %max3A_37 = arith.constant 0.000000e+00 : f32
    %max3A_38 = vector.broadcast %max3A_37 : f32 to vector<5000x256xf32>
    %max3A_39 = arith.maximumf %add3A_36, %max3A_38 : vector<5000x256xf32>
    %get3A_40 = arith.constant 0 : index
    %get3A_41 = arith.constant 0 : index
    %get3A_42 = vector.load %arg6[%get3A_40, %get3A_41] : memref<256x256xf32, #tpu.memory_space<vmem>>, vector<256x256xf32>
    %dot_general3A_43 = arith.constant dense<0.000000e+00> : vector<5000x256xf32>
    %dot_general3A_44 = tpu.matmul %max3A_39, %get3A_42, %dot_general3A_43 {dimension_numbers = #tpu.dot_dimension_numbers<[1], [1], [0], [0], [0, 0, 1, 0], [], []>, transpose_lhs_hint = false} : vector<5000x256xf32>, vector<256x256xf32>, vector<5000x256xf32> -> vector<5000x256xf32>
    %get3A_45 = arith.constant 0 : index
    %get3A_46 = arith.constant 0 : index
    %get3A_47 = vector.load %arg10[%get3A_45, %get3A_46] : memref<1x256xf32, #tpu.memory_space<vmem>>, vector<1x256xf32>
    %add3A_48 = vector.broadcast %get3A_47 : vector<1x256xf32> to vector<5000x256xf32>
    %add3A_49 = arith.addf %dot_general3A_44, %add3A_48 : vector<5000x256xf32>
    %max3A_50 = arith.constant 0.000000e+00 : f32
    %max3A_51 = vector.broadcast %max3A_50 : f32 to vector<5000x256xf32>
    %max3A_52 = arith.maximumf %add3A_49, %max3A_51 : vector<5000x256xf32>
    %get3A_53 = arith.constant 0 : index
    %get3A_54 = arith.constant 0 : index
    %get3A_55 = vector.load %arg7[%get3A_53, %get3A_54] : memref<128x256xf32, #tpu.memory_space<vmem>>, vector<128x256xf32>
    %dot_general3A_56 = arith.constant dense<0.000000e+00> : vector<5000x128xf32>
    %dot_general3A_57 = tpu.matmul %max3A_52, %get3A_55, %dot_general3A_56 {dimension_numbers = #tpu.dot_dimension_numbers<[1], [1], [0], [0], [0, 0, 1, 0], [], []>, transpose_lhs_hint = false} : vector<5000x256xf32>, vector<128x256xf32>, vector<5000x128xf32> -> vector<5000x128xf32>
    %get3A_58 = arith.constant 0 : index
    %get3A_59 = arith.constant 0 : index
    %get3A_60 = vector.load %arg11[%get3A_58, %get3A_59] : memref<1x128xf32, #tpu.memory_space<vmem>>, vector<1x128xf32>
    %add3A_61 = vector.broadcast %get3A_60 : vector<1x128xf32> to vector<5000x128xf32>
    %add3A_62 = arith.addf %dot_general3A_57, %add3A_61 : vector<5000x128xf32>
    %reduce_sum3A = arith.constant dense<0.000000e+00> : vector<5000xf32>
    %reduce_sum3A_63 = vector.multi_reduction <add>, %add3A_62, %reduce_sum3A [1] : vector<5000x128xf32> to vector<5000xf32>
    %broadcast_in_dim3A = vector.shape_cast %reduce_sum3A_63 : vector<5000xf32> to vector<5000x1xf32>
    %div3A = arith.constant 1.280000e+02 : f32
    %div3A_64 = vector.broadcast %div3A : f32 to vector<5000x1xf32>
    %div3A_65 = arith.divf %broadcast_in_dim3A, %div3A_64 : vector<5000x1xf32>
    %sub3A = vector.broadcast %div3A_65 : vector<5000x1xf32> to vector<5000x128xf32>
    %sub3A_66 = arith.subf %add3A_62, %sub3A : vector<5000x128xf32>
    %mul3A = arith.mulf %sub3A_66, %sub3A_66 : vector<5000x128xf32>
    %reduce_sum3A_67 = arith.constant dense<0.000000e+00> : vector<5000xf32>
    %reduce_sum3A_68 = vector.multi_reduction <add>, %mul3A, %reduce_sum3A_67 [1] : vector<5000x128xf32> to vector<5000xf32>
    %broadcast_in_dim3A_69 = vector.shape_cast %reduce_sum3A_68 : vector<5000xf32> to vector<5000x1xf32>
    %div3A_70 = arith.constant 1.280000e+02 : f32
    %div3A_71 = vector.broadcast %div3A_70 : f32 to vector<5000x1xf32>
    %div3A_72 = arith.divf %broadcast_in_dim3A_69, %div3A_71 : vector<5000x1xf32>
    %get3A_73 = arith.constant 0 : index
    %get3A_74 = arith.constant 0 : index
    %get3A_75 = vector.load %arg12[%get3A_73, %get3A_74] : memref<1x128xf32, #tpu.memory_space<vmem>>, vector<1x128xf32>
    %mul3A_76 = vector.broadcast %get3A_75 : vector<1x128xf32> to vector<5000x128xf32>
    %mul3A_77 = arith.mulf %mul3A_76, %sub3A_66 : vector<5000x128xf32>
    %add3A_78 = arith.constant 9.99999974E-6 : f32
    %add3A_79 = vector.broadcast %add3A_78 : f32 to vector<5000x1xf32>
    %add3A_80 = arith.addf %div3A_72, %add3A_79 : vector<5000x1xf32>
    %rsqrt3A = math.rsqrt %add3A_80 : vector<5000x1xf32>
    %mul3A_81 = vector.broadcast %rsqrt3A : vector<5000x1xf32> to vector<5000x128xf32>
    %mul3A_82 = arith.mulf %mul3A_77, %mul3A_81 : vector<5000x128xf32>
    %get3A_83 = arith.constant 0 : index
    %get3A_84 = arith.constant 0 : index
    %get3A_85 = vector.load %arg13[%get3A_83, %get3A_84] : memref<1x128xf32, #tpu.memory_space<vmem>>, vector<1x128xf32>
    %add3A_86 = vector.broadcast %get3A_85 : vector<1x128xf32> to vector<5000x128xf32>
    %add3A_87 = arith.addf %mul3A_82, %add3A_86 : vector<5000x128xf32>
    %swap3A = arith.constant 0 : index
    %swap3A_88 = arith.constant 0 : index
    %swap3A_89 = vector.load %arg14[%swap3A, %swap3A_88] : memref<5000x128xf32, #tpu.memory_space<vmem>>, vector<5000x128xf32>
    tpu.vector_store %arg14[%swap3A, %swap3A_88], %add3A_87 {strides = array<i32>} : memref<5000x128xf32, #tpu.memory_space<vmem>>, vector<5000x128xf32>,
    return
  }
  func.func @transform_0(%arg0: i32) -> (i32, i32) {
    %c0_i32 = arith.constant 0 : i32
    %c0_i32_0 = arith.constant 0 : i32
    return %arg0, %c0_i32 : i32, i32
  }
  func.func @transform_1(%arg0: i32) -> (i32, i32, i32) {
    %c0_i32 = arith.constant 0 : i32
    %c0_i32_0 = arith.constant 0 : i32
    %c0_i32_1 = arith.constant 0 : i32
    return %c0_i32, %arg0, %c0_i32_0 : i32, i32, i32
  }
  func.func @transform_2(%arg0: i32) -> (i32, i32, i32) {
    %c1_i32 = arith.constant 1 : i32
    %c0_i32 = arith.constant 0 : i32
    %c0_i32_0 = arith.constant 0 : i32
    return %c1_i32, %arg0, %c0_i32 : i32, i32, i32
  }
  func.func @transform_3(%arg0: i32) -> (i32, i32) {
    %c0_i32 = arith.constant 0 : i32
    %c0_i32_0 = arith.constant 0 : i32
    %c0_i32_1 = arith.constant 0 : i32
    return %c0_i32, %c0_i32_0 : i32, i32
  }
  func.func @transform_4(%arg0: i32) -> (i32, i32) {
    %c0_i32 = arith.constant 0 : i32
    %c0_i32_0 = arith.constant 0 : i32
    %c0_i32_1 = arith.constant 0 : i32
    return %c0_i32, %c0_i32_0 : i32, i32
  }
  func.func @transform_5(%arg0: i32) -> (i32, i32) {
    %c0_i32 = arith.constant 0 : i32
    %c0_i32_0 = arith.constant 0 : i32
    %c0_i32_1 = arith.constant 0 : i32
    return %c0_i32, %c0_i32_0 : i32, i32
  }
  func.func @transform_6(%arg0: i32) -> (i32, i32) {
    %c0_i32 = arith.constant 0 : i32
    %c0_i32_0 = arith.constant 0 : i32
    %c0_i32_1 = arith.constant 0 : i32
    return %c0_i32, %c0_i32_0 : i32, i32
  }
  func.func @transform_7(%arg0: i32) -> (i32, i32) {
    %c0_i32 = arith.constant 0 : i32
    %c0_i32_0 = arith.constant 0 : i32
    %c0_i32_1 = arith.constant 0 : i32
    return %c0_i32, %c0_i32_0 : i32, i32
  }
  func.func @transform_8(%arg0: i32) -> (i32, i32) {
    %c0_i32 = arith.constant 0 : i32
    %c0_i32_0 = arith.constant 0 : i32
    %c0_i32_1 = arith.constant 0 : i32
    return %c0_i32, %c0_i32_0 : i32, i32
  }
  func.func @transform_9(%arg0: i32) -> (i32, i32) {
    %c0_i32 = arith.constant 0 : i32
    %c0_i32_0 = arith.constant 0 : i32
    %c0_i32_1 = arith.constant 0 : i32
    return %c0_i32, %c0_i32_0 : i32, i32
  }
  func.func @transform_10(%arg0: i32) -> (i32, i32) {
    %c0_i32 = arith.constant 0 : i32
    %c0_i32_0 = arith.constant 0 : i32
    %c0_i32_1 = arith.constant 0 : i32
    return %c0_i32, %c0_i32_0 : i32, i32
  }
  func.func @transform_11(%arg0: i32) -> (i32, i32) {
    %c0_i32 = arith.constant 0 : i32
    %c0_i32_0 = arith.constant 0 : i32
    %c0_i32_1 = arith.constant 0 : i32
    return %c0_i32, %c0_i32_0 : i32, i32
  }
  func.func @transform_12(%arg0: i32) -> (i32, i32) {
    %c0_i32 = arith.constant 0 : i32
    %c0_i32_0 = arith.constant 0 : i32
    %c0_i32_1 = arith.constant 0 : i32
    return %c0_i32, %c0_i32_0 : i32, i32
  }
  func.func @transform_13(%arg0: i32) -> (i32, i32) {
    %c0_i32 = arith.constant 0 : i32
    %c0_i32_0 = arith.constant 0 : i32
    return %arg0, %c0_i32 : i32, i32
  }
}

</mosaic_0001>

<sc_bundles>
// kernel: kernel.4.cloned.1.call-start
scs
__scs_entry_jumppad:
0x0: {  	(pc) =	sbr.rel $0x88, $3  }
0x1: {  	(tag) =	ssettag $0x0;
	lr =	simm.s32 $0x1  }
0x2: {  	[smem:$0x3F94] =	sst lr;
	_ =	strace $0xD0000000  }
0x3: {  	_ = 	snop  }
0x4: {  	_ = 	snop  }
0x5: {  	_ = 	snop  }
0x6: {  	_ = 	snop  }
0x7: {  	_ = 	snop  }
__scs_overlays_trampoline_lowered:
0x8: {  	[smem:$0x3FA3] =	sst s0  }
0x9: {  	[smem:$0x3FA4] =	sst s1  }
0xa: {  	[smem:$0x3FA5] =	sst s2  }
0xb: {  	[smem:$0x3FA6] =	sst s3  }
0xc: {  	[smem:$0x3FA7] =	sst s4  }
0xd: {  	[smem:$0x3FA8] =	sst s5  }
0xe: {  	[smem:$0x3FA9] =	sst s6  }
0xf: {  	[smem:$0x3FAA] =	sst s7  }
0x10: {  	[smem:$0x3FAB] =	sst s8  }
0x11: {  	[smem:$0x3FAC] =	sst s9;
	s0 =	simm.s32 @!p0 $0x0  }
0x12: {  	s1 =	sld [smem:$0x3F92];
	s0 =	simm.s32 @p0 $0x1  }
0x13: {  	[smem:$0x3FAD] =	sst s0;
	s0 =	simm.s32 @!p1 $0x0  }
0x14: {  	s2 =	sld [smem:$0x3F91];
	s0 =	simm.s32 @p1 $0x1  }
0x15: {  	[smem:$0x3FAE] =	sst s0;
	s0 =	simm.s32 @!p2 $0x0  }
0x16: {  	s3 =	sld [smem:$0x3FDB];
	s0 =	simm.s32 @p2 $0x1  }
0x17: {  	s4 =	simm.s32 $0x1BF5;
	[smem:$0x3FB0] =	sst s0  }
0x18: {  	s0 =	sld [smem:$0x3F93];
	_ =	swait.ge [sflag:s4], $0x0  }
0x19: {  	s7 =	sld [smem:$0x3F94]  }
0x1a: {  	s8 =	sadd.s32 $0xFFFFE003, lr  }
0x1b: {  	s9 =	sadd.s32 $0xFFFFFEF7, lr;
	s5 =	simm.s32 $0xFFFFFFFF;
	p2 =	slt.u32 s8, $0xFFFFF086  }
0x1c: {  	p1 =	slt.u32 s9, $0xF7A;
	s5 =	simm.s32 @!p2 $0x0  }
0x1d: {  	s5 =	simm.s32 @p1 $0x1;
	p0 =	seq.s32 s7, s2  }
0x1e: {  	s7 =	smul.u32 @!p0 $0xF7A, s2;
	p2 =	seq.s32 @!p0 s5, $0x0  }
0x1f: {  	s9 =	smul.u32 $0xF7A, s1;
	s8 =	simm.s32 @!p0 $0x1BF5;
	p2 =	por !p2, p0  }
0x20: {  	[sflag:s8] =	ssyncset.s32 @!p0 $0xFFFFF086;
	s6 =	sadd.s32 @!p0 s3, s7;
	s7 =	simm.s32 @!p0 $0x108  }
0x21: {  	s3 =	sadd.s32 s3, s9;
	s6 =	sadd.s32 @!p0 $0x88, s6;
	s7 =	simm.s32 @p2 $0x1082  }
0x22: {  	[simem:s7], [sflag:s8] =	dma.local @!p0 [hbm:s6], $0xF7A  }
0x23: {  	s9 =	sor.u32 $0xD0000000, s2;
	s6 =	simm.s32 $0x108;
	_ =	swait.ge @!p0 [sflag:s8], $0x0  }
0x24: {  	s3 =	sadd.s32 $0x88, s3;
	s6 =	simm.s32 @!p1 $0x1082;
	[sflag:s4] =	ssyncset.s32 $0xFFFFF086  }
0x25: {  	[simem:s6], [sflag:s4] =	dma.local [hbm:s3], $0xF7A  }
0x26: {  	[smem:$0x3F94] =	sst s1;
	(tag) =	ssettag s2;
	_ =	strace s9  }
0x27: {  	s1 =	sld [smem:$0x3FA4]  }
0x28: {  	s2 =	sld [smem:$0x3FA5]  }
0x29: {  	s4 =	sld [smem:$0x3FA7]  }
0x2a: {  	p0 =	seq.s32 s5, $0x0;
	s5 =	sld [smem:$0x3FA8]  }
0x2b: {  	s6 =	sld [smem:$0x3FA9]  }
0x2c: {  	s7 =	sld [smem:$0x3FAA]  }
0x2d: {  	s3 =	simm.s32 $0x108;
	s8 =	sld [smem:$0x3FAB]  }
0x2e: {  	s3 =	simm.s32 @!p0 $0x1082;
	s9 =	sld [smem:$0x3FAC]  }
0x2f: {  	lr =	sadd.s32 s0, s3;
	s0 =	sld [smem:$0x3FA3]  }
0x30: {  	s3 =	sld [smem:$0x3FA6]  }
0x31: {  	[smem:$0x3FAF] =	sst s10  }
0x32: {  	s10 =	sld [smem:$0x3FAD];
	_ =	sdelay $0x3  }
0x33: {  	p0 =	seq.s32 s10, $0x1;
	s10 =	sld [smem:$0x3FAF];
	_ =	sdelay $0x3  }
0x34: {  	[smem:$0x3FAF] =	sst s10  }
0x35: {  	s10 =	sld [smem:$0x3FAE];
	_ =	sdelay $0x3  }
0x36: {  	p1 =	seq.s32 s10, $0x1;
	s10 =	sld [smem:$0x3FAF];
	_ =	sdelay $0x3  }
0x37: {  	[smem:$0x3FAF] =	sst s10  }
0x38: {  	s10 =	sld [smem:$0x3FB0]  }
0x39: {  	_ = 	snop;
	(pc) =	sbr.ind lr, $3  }
0x3a: {  	_ = 	snop  }
0x3b: {  	_ = 	snop  }
0x3c: {  	p2 =	seq.s32 s10, $0x1;
	s10 =	sld [smem:$0x3FAF]  }
0x3d: {  	_ =	shalt  }
0x3e: {  	_ =	shalt  }
0x3f: {  	_ =	shalt  }
0x40: {  	_ =	shalt  }
0x41: {  	_ =	shalt  }
0x42: {  	_ =	shalt  }
0x43: {  	_ =	shalt  }
0x44: {  	_ =	shalt  }
0x45: {  	_ =	shalt  }
0x46: {  	_ =	shalt  }
0x47: {  	_ =	shalt  }
0x48: {  	_ =	shalt  }
0x49: {  	_ =	shalt  }
0x4a: {  	_ =	shalt  }
0x4b: {  	_ =	shalt  }
0x4c: {  	_ =	shalt  }
0x4d: {  	_ =	shalt  }
0x4e: {  	_ =	shalt  }
0x4f: {  	_ =	shalt  }
0x50: {  	_ =	shalt  }
0x51: {  	_ =	shalt  }
0x52: {  	_ =	shalt  }
0x53: {  	_ =	shalt  }
0x54: {  	_ =	shalt  }
0x55: {  	_ =	shalt  }
0x56: {  	_ =	shalt  }
0x57: {  	_ =	shalt  }
0x58: {  	_ =	shalt  }
0x59: {  	_ =	shalt  }
0x5a: {  	_ =	shalt  }
0x5b: {  	_ =	shalt  }
0x5c: {  	_ =	shalt  }
0x5d: {  	_ =	shalt  }
0x5e: {  	_ =	shalt  }
0x5f: {  	_ =	shalt  }
0x60: {  	_ =	shalt  }
0x61: {  	_ =	shalt  }
0x62: {  	_ =	shalt  }
0x63: {  	_ =	shalt  }
0x64: {  	_ =	shalt  }
0x65: {  	_ =	shalt  }
0x66: {  	_ =	shalt  }
0x67: {  	_ =	shalt  }
0x68: {  	_ =	shalt  }
0x69: {  	_ =	shalt  }
0x6a: {  	_ =	shalt  }
0x6b: {  	_ =	shalt  }
0x6c: {  	_ =	shalt  }
0x6d: {  	_ =	shalt  }
0x6e: {  	_ =	shalt  }
0x6f: {  	_ =	shalt  }
0x70: {  	_ =	shalt  }
0x71: {  	_ =	shalt  }
0x72: {  	_ =	shalt  }
0x73: {  	_ =	shalt  }
0x74: {  	_ =	shalt  }
0x75: {  	_ =	shalt  }
0x76: {  	_ =	shalt  }
0x77: {  	_ =	shalt  }
0x78: {  	_ =	shalt  }
0x79: {  	_ =	shalt  }
0x7a: {  	_ =	shalt  }
0x7b: {  	_ =	shalt  }
0x7c: {  	_ =	shalt  }
0x7d: {  	_ =	shalt  }
0x7e: {  	_ =	shalt  }
0x7f: {  	_ =	shalt  }
0x80: {  	_ =	shalt  }
0x81: {  	_ =	shalt  }
0x82: {  	_ =	shalt  }
0x83: {  	_ =	shalt  }
0x84: {  	_ =	shalt  }
0x85: {  	_ =	shalt  }
0x86: {  	_ =	shalt  }
0x87: {  	_ =	shalt  }
.Lfunc_end0:
.L_simem_size_0:
called_computation_lowered:
.L_overlay_start_0:
0x88: {  	s2 =	sld [smem:$0x3FD9]  }
0x89: {  	s3 =	sld [smem:$0x3FFE];
	_ =	sdelay $0x1  }
0x8a: {  	s1 =	srdreg.scid  }
0x8b: {  	s0 =	sand.u32 $0x1, s1  }
0x8c: {  	s17 =	sshll.u32 s0, $0xA;
	s2 =	sadd.s32 s3, s2  }
0x8d: {  	s2 =	sadd.s32 s2, s17  }
0x8e: {  	[smem:$0x3FBB] =	sst s2  }
0x8f: {  	_ = 	snop  }
0x90: {  	s2 =	sld [smem:$0x3FC8]  }
0x91: {  	s18 =	sld [smem:$0x3FC7]  }
0x92: {  	s4 =	sld [smem:$0x3FD0];
	(tm) =	ssettm $0x1  }
0x93: {  	s5 =	sld [smem:$0x3FFB];
	_ =	sdelay $0x3  }
0x94: {  	_ =	strace s5  }
0x95: {  	s5 =	sld [smem:$0x3FFC];
	_ =	sdelay $0x3  }
0x96: {  	_ =	strace s5  }
0x97: {  	s5 =	sld [smem:$0x3FFD];
	_ =	sdelay $0x3  }
0x98: {  	_ =	strace s5  }
0x99: {  	_ =	strace $0x8FFFFFFF  }
0x9a: {  	s19 =	sld [smem:$0x3FDB];
	_ =	sdelay $0x1  }
0x9b: {  	s6 =	simm.s32 $_scs_section_size  }
0x9c: {  	s7 =	simm.s32 $_size__tile_overlayer_lowered;
	s8 =	simm.s32 $_tile_overlayer_lowered  }
0x9d: {  	s22 =	simm.s32 $0x1BFF;
	s21 =	sshll.u32 s8, $0x1;
	s5 =	sadd.s32 s6, s19  }
0x9e: {  	s9 =	simm.s32 $0x0;
	s20 =	sshll.u32 s7, $0x1;
	s7 =	sadd.s32 s21, s5  }
0x9f: {  	[timem:s9], [sflag:s22] =	dma.local [hbm:s7], s20  }
0xa0: {  	_ =	swait.ge [sflag:s22], s20  }
0xa1: {  	s6 =	ssub.s32 $0x0, s20;
	[sflag:s22] =	ssyncset.done $0x0  }
0xa2: {  	[sflag:s22] =	ssyncadd.s32 s6;
	_ =	sdelay $0x1  }
0xa3: {  	s23 =	simm.s32 $0x1B8B  }
0xa4: {  	_ =	swait.ge [sflag:s23], $0x1  }
0xa5: {  	[sflag:s23] =	ssyncset.done $0x0  }
0xa6: {  	s25 =	simm.s32 $0x1B8E;
	s24 =	sld [smem:$0x3FFE];
	[sflag:s23] =	ssyncadd.s32 $0xFFFFFFFF  }
0xa7: {  	s26 =	simm.s32 $execute0_lowered;
	[smem:$0x3FD2] =	sst s25  }
0xa8: {  	s7 =	sshll.u32 s26, $0x1;
	_ =	strace $0x80000046;
	[dreg:$0x1] =	wrdreg $0xFFFFFFFF  }
0xa9: {  	s28 =	simm.s32 $_size_execute0_lowered;
	s5 =	sadd.s32 s5, s7;
	[dreg:$0x0] =	wrdreg $0x0  }
0xaa: {  	s7 =	sshll.u32 s28, $0x1;
	[dreg:$0x2] =	wrdreg s5  }
0xab: {  	[dreg:$0x3] =	wrdreg s7  }
0xac: {  	[dreg:$0x4] =	wrdreg $0xC0  }
0xad: {  	_ =	task [dreg:s9], $0x5FFFF  }
0xae: {  	[dreg:$0x1] =	wrdreg $0xFFFFFFFF  }
0xaf: {  	[dreg:$0x0] =	wrdreg $0x60  }
0xb0: {  	[dreg:$0x2] =	wrdreg s18  }
0xb1: {  	[dreg:$0x3] =	wrdreg s2  }
0xb2: {  	[dreg:$0x4] =	wrdreg s4  }
0xb3: {  	[dreg:$0x5] =	wrdreg s24  }
0xb4: {  	[dreg:$0x6] =	wrdreg $0xC3000  }
0xb5: {  	[dreg:$0x7] =	wrdreg $0x9  }
0xb6: {  	_ =	task.clear_ibuf [dreg:s9], $0x8FFFF;
	_ =	strace $0x90000046  }
0xb7: {  	s29 =	simm.s32 $0x9;
	_ =	strace $0x80000048  }
0xb8: {  	_ =	swait.ge [sflag:s29], $0x1  }
0xb9: {  	[sflag:s29] =	ssyncadd.s32 $0xFFFFFFFF  }
0xba: {  	_ =	strace $0x90000048  }
0xbb: {  	_ =	sfence  }
0xbc: {  	s30 =	sld [smem:$0x0];
	_ =	sdelay $0x2  }
0xbd: {  	s31 =	sshll.u32 s1, $0xD;
	s1 =	sshrl.u32 s1, $0x2  }
0xbe: {  	s3 =	sand.u32 $0x4000, s31;
	s1 =	sadd.s32 s1, s30  }
0xbf: {  	s0 =	sor.u32 s3, s0;
	s1 =	sshll.u32 s1, $0x11  }
0xc0: {  	s0 =	sor.u32 s1, s0  }
0xc1: {  	s0 =	sadd.s32 $0x8F2B, s0  }
0xc2: {  	[sflag:s0] =	ssyncadd.remote.s32 $0x1  }
0xc3: {  	_ =	sfence.sel $0xFFFF  }
0xc4: {  	[dreg:$0x0] =	wrdreg $0xFFFFFFFF;
	(pc) =	sbr.abs _section_cstart, $3  }
0xc5: {  	[dreg:$0x1] =	wrdreg $0xFFFFFFFF  }
0xc6: {  	_ =	task.clear_ibuf [dreg:s9], $0x2FFFF;
	_ =	strace $0x9FFFFFFF  }
0xc7: {  	(tm) =	ssettm $0x7FFFFFFF  }
tec
execute0_lowered:
.L_overlay_start_1:
0x0: {  	(tag) =	ssettag $0x1  }
0x1: {  	s1 =	rddreg [dreg:$0x0]  }
0x2: {  	s0 =	rddreg [dreg:$0x1]  }
0x3: {  	s2 =	rddreg [dreg:$0x3];
	s4 =	srdreg.scid  }
0x4: {  	s15 =	stileid.u32;
	s3 =	rddreg [dreg:$0x4]  }
0x5: {  	s28 =	simm.s32 $0x4;
	s29 =	simm.s32 $0x80;
	s30 =	simm.s32 $0xC080  }
0x6: {  	s31 =	simm.s32 $0x8000;
	s5 =	sand.u32 $0x1, s4;
	s6 =	sshll.u32 s15, $0x1  }
0x7: {  	s4 =	simm.s32 $0x0;
	s2 =	sadd.s32 $0x1C00, s2;
	s11 =	smul.u32 $0x4E000, s15  }
0x8: {  	s24 =	sadd.s32 $0x124800, s3;
	s14 =	smul.u32 $0x13800, s15;
	p0 =	seq.s32 s15, $0xF  }
0x9: {  	p1 =	sgt.u32 s15, $0x1;
	s6 =	sor.u32 s5, s6;
	s13 =	smul.u32 $0x138800, s5  }
0xa: {  	[smem:$0x7FF] =	sst s4;
	s7 =	ssub.s32 $0x2, s5;
	s8 =	smul.u32 $0x27000, s6  }
0xb: {  	_ =	strace $0x80000047;
	s9 =	sshrl.u32 s7, $0x1;
	s10 =	smul.u32 $0x2700, s6  }
0xc: {  	s20 =	smul.u32 $0x9C0, s6;
	s23 =	sshrl.u32 s11, $0x2;
	[dreg:$0xc] =	wrdreg s24  }
0xd: {  	s6 =	sshll.u32 s6, $0x7;
	s7 =	ssub.s32 s7, s9;
	s16 =	sshrl.u32 s13, $0x3  }
0xe: {  	s6 =	sor.u32 $0x4E000, s6;
	s8 =	sadd.s32 s1, s8;
	s21 =	sor.u32 $0x80, s10  }
0xf: {  	s9 =	sadd.s32 s0, s20;
	s25 =	sadd.s32 $0x100, s10;
	s18 =	sadd.s32 s2, s16  }
0x10: {  	s20 =	sadd.s32 s14, s13;
	s24 =	smax.u32 s7, $0x1;
	[dreg:$0x7] =	wrdreg s8  }
0x11: {  	s16 =	simm.s32 $0xC180;
	s7 =	simm.s32 $0x9;
	[dreg:$0x8] =	wrdreg s9  }
0x12: {  	s22 =	sshll.u32 s21, $0x4;
	s8 =	sshrl.u32 s21, $0x2;
	s21 =	smul.u32 $0x27000, s5  }
0x13: {  	s12 =	sshll.u32 s25, $0x4;
	s19 =	sadd.s32 $0x24900, s18;
	s5 =	smul.u32 $0x2700, s5  }
0x14: {  	[dreg:$0x15] =	wrdreg s24;
	s24 =	simm.s32 $0x4000;
	s18 =	simm.s32 $0x7  }
0x15: {  	s9 =	sadd.s32 s1, s22;
	s8 =	sadd.s32 s0, s8;
	[dreg:$0x11] =	wrdreg s19  }
0x16: {  	s26 =	sadd.s32 s1, s12;
	s12 =	sadd.s32 $0x180, s10;
	[dreg:$0x9] =	wrdreg s9  }
0x17: {  	s22 =	smul.u32 $0x4E00, s15;
	[dreg:$0xa] =	wrdreg s8;
	s8 =	sadd.s32 s23, s3  }
0x18: {  	[dreg:$0xd] =	wrdreg s26;
	s10 =	sshll.u32 s12, $0x4;
	s23 =	sshll.u32 s6, $0x4  }
0x19: {  	[dreg:$0xb] =	wrdreg s8;
	s8 =	sshrl.u32 s25, $0x2;
	s17 =	sadd.s32 s1, s10  }
0x1a: {  	s6 =	sshrl.u32 s6, $0x2;
	s8 =	sadd.s32 s0, s8;
	[dreg:$0xf] =	wrdreg s17  }
0x1b: {  	s6 =	sadd.s32 s0, s6;
	[dreg:$0xe] =	wrdreg s8;
	s8 =	sshrl.u32 s12, $0x2  }
0x1c: {  	s15 =	simm.s32 $0x2;
	[dreg:$0x14] =	wrdreg s6;
	s8 =	sadd.s32 s0, s8  }
0x1d: {  	s17 =	simm.s32 $0x5;
	[dreg:$0x10] =	wrdreg s8;
	s8 =	sshrl.u32 s20, $0x3  }
0x1e: {  	s6 =	simm.s32 $0xC280;
	s2 =	sadd.s32 s2, s8;
	s8 =	sadd.s32 s1, s23  }
0x1f: {  	s1 =	sadd.s32 s11, s1;
	s23 =	simm.s32 $0xC000;
	[dreg:$0x12] =	wrdreg s2  }
0x20: {  	[dreg:$0x13] =	wrdreg s8;
	s1 =	sadd.s32 s21, s1;
	s2 =	sadd.s32 s5, s22  }
0x21: {  	s11 =	simm.s32 $0x0;
	[dreg:$0x6] =	wrdreg s1;
	s25 =	sadd.s32 $0x300, s2  }
.Ltmp0:
0x22: {  	s5 =	sadd.s32 $0x280, s2;
	s2 =	sadd.s32 $0x200, s2;
	(pc) =	sbr.rel .LBB2_1-.Ltmp0, $4  }
0x23: {  	s1 =	sshrl.u32 s25, $0x2;
	s5 =	sshrl.u32 s5, $0x2;
	s26 =	sshrl.u32 s2, $0x2  }
0x24: {  	s25 =	simm.s32 $0xC100;
	s2 =	simm.s32 $0xC200;
	s10 =	sadd.s32 s1, s0  }
0x25: {  	s14 =	sadd.s32 s5, s0;
	s19 =	sadd.s32 s26, s0;
	s26 =	simm.s32 $0x1  }
0x26: {  	s0 =	simm.s32 $0x3;
	s1 =	simm.s32 $0x6;
	s5 =	simm.s32 $0x8  }
.LBB2_7:
0x27: {  	s8 =	rddreg [dreg:$0xc]  }
0x28: {  	s9 =	rddreg [dreg:$0x11]  }
0x29: {  	s12 =	simm.s32 $0x1FCA;
	s22 =	simm.s32 $0xA;
	s8 =	sshrl.u32 s8, $0x3  }
0x2a: {  	[hbm:s9], [sflag:s12] =	dma.local [spmem:s8], $0x2800  }
0x2b: {  	_ =	swait.ge [sflag:s22], $0x2800  }
0x2c: {  	[sflag:s22] =	ssyncset.done $0x0  }
0x2d: {  	[sflag:s22] =	ssyncadd.s32 $0xFFFFD800  }
.LBB2_8:
0x2e: {  	s11 =	sadd.s32 $0x1, s11;
	s8 =	rddreg [dreg:$0x15]  }
0x2f: {  	p2 =	sne.s32 s11, s8  }
.Ltmp1:
0x30: {  	_ = 	snop;
	(pc) =	sbr.rel @!p2 .LBB2_9-.Ltmp1, $1  }
0x31: {  	_ =	sdelay $0x3  }
.LBB2_1:
0x32: {  	s8 =	rddreg [dreg:$0x7]  }
0x33: {  	s13 =	rddreg [dreg:$0x8]  }
0x34: {  	s20 =	rddreg [dreg:$0x9]  }
0x35: {  	[tilespmem:s4], [sflag:$0x1] =	stream.linear.gather [hbm4b:s8+s4], $0x4000, $0x38;
	[tilespmem:$0x1FB80] =	vst v63  }
0x36: {  	s21 =	rddreg [dreg:$0xa]  }
0x37: {  	[tilespmem:s23], [sflag:$0x4] =	stream.linear.gather [hbm4b:s13+s4], $0x100, $0x38;
	[tilespmem:$0x1FB80] =	vst v63  }
0x38: {  	s8 =	rddreg [dreg:$0xc]  }
0x39: {  	[tilespmem:s24], [sflag:$0x2] =	stream.linear.gather [hbm4b:s20+s4], $0x4000, $0x38;
	[tilespmem:$0x1FB80] =	vst v63  }
0x3a: {  	s9 =	rddreg [dreg:$0x2];
	s12 =	sshrl.u32 @p0 s8, $0x3;
	s13 =	simm.s32 @p0 $0x1FCA  }
0x3b: {  	[tilespmem:s25], [sflag:$0x5] =	stream.linear.gather [hbm4b:s21+s4], $0x100, $0x38;
	[tilespmem:$0x1FB80] =	vst v63  }
0x3c: {  	[spmem:s12], [sflag:s13] =	dma.local @p0 [hbm:s9], $0x2800  }
0x3d: {  	s12 =	simm.s32 @p0 $0xA  }
0x3e: {  	s8 =	stileid.u32;
	_ =	swait.ge @p0 [sflag:s12], $0x2800  }
0x3f: {  	s13 =	sshll.u32 @!p0 s8, $0x6;
	[sflag:s12] =	ssyncset.done @p0 $0x0;
	s8 =	rddreg [dreg:$0xb]  }
0x40: {  	[sflag:s12] =	ssyncadd.s32 @p0 $0xFFFFD800;
	s12 =	sor.u32 @!p0 $0x1C0A, s13;
	s13 =	sshrl.u32 @!p0 s8, $0x3  }
0x41: {  	[spmem:s13], [sflag:s12] =	dma.local @!p0 [hbm:s9], $0x2700  }
0x42: {  	s12 =	simm.s32 @!p0 $0xA  }
0x43: {  	_ =	swait.ge @!p0 [sflag:s12], $0x2700  }
0x44: {  	[sflag:s12] =	ssyncset.done @!p0 $0x0  }
0x45: {  	[sflag:s12] =	ssyncadd.s32 @!p0 $0xFFFFD900  }
0x46: {  	[bflag:$0x0] =	sbarrier.arrive $0xFFFF  }
0x47: {  	_ =	swait.ge [sflag:s26], $0x4000  }
0x48: {  	[sflag:s26] =	ssyncset.done $0x0  }
0x49: {  	[sflag:s26] =	ssyncadd.s32 $0xFFFFC000  }
0x4a: {  	_ =	swait.ge [sflag:s28], $0x100  }
0x4b: {  	[sflag:s28] =	ssyncset.done $0x0  }
0x4c: {  	[sflag:s28] =	ssyncadd.s32 $0xFFFFFF00  }
0x4d: {  	[spmem:s3] =	stream.indirect.scatter.add.f32 [tilespmem:s4], [sflag:$0x7], $0x80, s30, s29, $0xb8;
	[tilespmem:$0x1FB80] =	vst v63  }
0x4e: {  	s22 =	rddreg [dreg:$0xd]  }
0x4f: {  	[tilespmem:s31], [sflag:$0x3] =	stream.linear.gather [hbm4b:s22+s4], $0x4000, $0x38;
	[tilespmem:$0x1FB80] =	vst v63  }
0x50: {  	s9 =	rddreg [dreg:$0xe]  }
0x51: {  	[tilespmem:s2], [sflag:$0x6] =	stream.linear.gather [hbm4b:s9+s4], $0x100, $0x38;
	[tilespmem:$0x1FB80] =	vst v63  }
0x52: {  	_ =	swait.ge [sflag:s15], $0x4000  }
0x53: {  	[sflag:s15] =	ssyncset.done $0x0  }
0x54: {  	[sflag:s15] =	ssyncadd.s32 $0xFFFFC000  }
0x55: {  	_ =	swait.ge [sflag:s17], $0x100  }
0x56: {  	[sflag:s17] =	ssyncset.done $0x0  }
0x57: {  	[sflag:s17] =	ssyncadd.s32 $0xFFFFFF00  }
0x58: {  	_ =	swait.ge [sflag:s18], $0x4000  }
0x59: {  	[sflag:s18] =	ssyncset.done $0x0  }
0x5a: {  	[sflag:s18] =	ssyncadd.s32 $0xFFFFC000  }
0x5b: {  	[spmem:s3] =	stream.indirect.scatter.add.f32 [tilespmem:s24], [sflag:$0x8], $0x80, s16, s29, $0xb8;
	[tilespmem:$0x1FB80] =	vst v63  }
0x5c: {  	s12 =	rddreg [dreg:$0xf]  }
0x5d: {  	[tilespmem:s4], [sflag:$0x1] =	stream.linear.gather [hbm4b:s12+s4], $0x4000, $0x38;
	[tilespmem:$0x1FB80] =	vst v63  }
0x5e: {  	s13 =	rddreg [dreg:$0x10]  }
0x5f: {  	[tilespmem:s23], [sflag:$0x4] =	stream.linear.gather [hbm4b:s13+s4], $0x100, $0x38;
	[tilespmem:$0x1FB80] =	vst v63  }
0x60: {  	_ =	swait.ge [sflag:s0], $0x4000  }
0x61: {  	[sflag:s0] =	ssyncset.done $0x0  }
0x62: {  	[sflag:s0] =	ssyncadd.s32 $0xFFFFC000  }
0x63: {  	_ =	swait.ge [sflag:s1], $0x100  }
0x64: {  	[sflag:s1] =	ssyncset.done $0x0  }
0x65: {  	[sflag:s1] =	ssyncadd.s32 $0xFFFFFF00  }
0x66: {  	_ =	swait.ge [sflag:s5], $0x4000  }
0x67: {  	[sflag:s5] =	ssyncset.done $0x0;
	s20 =	rddreg [dreg:$0x6]  }
0x68: {  	[sflag:s5] =	ssyncadd.s32 $0xFFFFC000;
	s12 =	sadd.s32 $0x0, s20  }
0x69: {  	[spmem:s3] =	stream.indirect.scatter.add.f32 [tilespmem:s31], [sflag:$0x9], $0x80, s6, s29, $0xb8;
	[tilespmem:$0x1FB80] =	vst v63  }
0x6a: {  	s21 =	sadd.s32 $0x2000, s12  }
0x6b: {  	[tilespmem:s24], [sflag:$0x2] =	stream.linear.gather [hbm4b:s21+s4], $0x4000, $0x38;
	[tilespmem:$0x1FB80] =	vst v63  }
0x6c: {  	_ = 	snop  }
0x6d: {  	[tilespmem:s25], [sflag:$0x5] =	stream.linear.gather [hbm4b:s19+s4], $0x100, $0x38;
	[tilespmem:$0x1FB80] =	vst v63  }
0x6e: {  	_ =	swait.ge [sflag:s26], $0x4000  }
0x6f: {  	[sflag:s26] =	ssyncset.done $0x0  }
0x70: {  	[sflag:s26] =	ssyncadd.s32 $0xFFFFC000  }
0x71: {  	_ =	swait.ge [sflag:s28], $0x100  }
0x72: {  	[sflag:s28] =	ssyncset.done $0x0  }
0x73: {  	[sflag:s28] =	ssyncadd.s32 $0xFFFFFF00  }
0x74: {  	_ =	swait.ge [sflag:s7], $0x4000  }
0x75: {  	[sflag:s7] =	ssyncset.done $0x0  }
0x76: {  	[sflag:s7] =	ssyncadd.s32 $0xFFFFC000  }
0x77: {  	[spmem:s3] =	stream.indirect.scatter.add.f32 [tilespmem:s4], [sflag:$0x7], $0x80, s30, s29, $0xb8;
	[tilespmem:$0x1FB80] =	vst v63  }
0x78: {  	s22 =	sadd.s32 $0x2800, s12  }
0x79: {  	[tilespmem:s31], [sflag:$0x3] =	stream.linear.gather [hbm4b:s22+s4], $0x4000, $0x38;
	[tilespmem:$0x1FB80] =	vst v63  }
0x7a: {  	_ = 	snop  }
0x7b: {  	[tilespmem:s2], [sflag:$0x6] =	stream.linear.gather [hbm4b:s14+s4], $0x100, $0x38;
	[tilespmem:$0x1FB80] =	vst v63  }
0x7c: {  	_ =	swait.ge [sflag:s15], $0x4000  }
0x7d: {  	[sflag:s15] =	ssyncset.done $0x0  }
0x7e: {  	[sflag:s15] =	ssyncadd.s32 $0xFFFFC000  }
0x7f: {  	_ =	swait.ge [sflag:s17], $0x100  }
0x80: {  	[sflag:s17] =	ssyncset.done $0x0  }
0x81: {  	[sflag:s17] =	ssyncadd.s32 $0xFFFFFF00  }
0x82: {  	_ =	swait.ge [sflag:s18], $0x4000  }
0x83: {  	[sflag:s18] =	ssyncset.done $0x0  }
0x84: {  	[sflag:s18] =	ssyncadd.s32 $0xFFFFC000  }
0x85: {  	[spmem:s3] =	stream.indirect.scatter.add.f32 [tilespmem:s24], [sflag:$0x8], $0x80, s16, s29, $0xb8;
	[tilespmem:$0x1FB80] =	vst v63  }
0x86: {  	s13 =	smov.u32 s10;
	s20 =	smov.u32 s10;
	s12 =	sadd.s32 $0x3000, s12  }
0x87: {  	[tilespmem:s4], [sflag:$0x1] =	stream.linear.gather [hbm4b:s12+s4], $0x4000, $0x38;
	[tilespmem:$0x1FB80] =	vst v63  }
0x88: {  	s21 =	smov.u32 s14;
	s22 =	smov.u32 s19;
	s12 =	simm.s32 $0x1800  }
.LBB2_2:
0x89: {  	[tilespmem:s23], [sflag:$0x4] =	stream.linear.gather [hbm4b:s13+s4], $0x100, $0x38;
	[tilespmem:$0x1FB80] =	vst v63  }
0x8a: {  	_ =	swait.ge [sflag:s0], $0x4000  }
0x8b: {  	[sflag:s0] =	ssyncset.done $0x0  }
0x8c: {  	[sflag:s0] =	ssyncadd.s32 $0xFFFFC000  }
0x8d: {  	_ =	swait.ge [sflag:s1], $0x100  }
0x8e: {  	[sflag:s1] =	ssyncset.done $0x0  }
0x8f: {  	[sflag:s1] =	ssyncadd.s32 $0xFFFFFF00  }
0x90: {  	_ =	swait.ge [sflag:s5], $0x4000  }
0x91: {  	s9 =	smov.u32 s12;
	[sflag:s5] =	ssyncset.done $0x0;
	s8 =	rddreg [dreg:$0x6]  }
0x92: {  	[sflag:s5] =	ssyncadd.s32 $0xFFFFC000;
	s8 =	sadd.s32 s9, s8  }
0x93: {  	[spmem:s3] =	stream.indirect.scatter.add.f32 [tilespmem:s31], [sflag:$0x9], $0x80, s6, s29, $0xb8;
	[tilespmem:$0x1FB80] =	vst v63  }
0x94: {  	s9 =	sadd.s32 $0x2000, s8  }
0x95: {  	[tilespmem:s24], [sflag:$0x2] =	stream.linear.gather [hbm4b:s9+s4], $0x4000, $0x38;
	[tilespmem:$0x1FB80] =	vst v63  }
0x96: {  	s22 =	sadd.s32 $0x60, s22  }
0x97: {  	[tilespmem:s25], [sflag:$0x5] =	stream.linear.gather [hbm4b:s22+s4], $0x100, $0x38;
	[tilespmem:$0x1FB80] =	vst v63  }
0x98: {  	_ =	swait.ge [sflag:s26], $0x4000  }
0x99: {  	[sflag:s26] =	ssyncset.done $0x0  }
0x9a: {  	[sflag:s26] =	ssyncadd.s32 $0xFFFFC000  }
0x9b: {  	_ =	swait.ge [sflag:s28], $0x100  }
0x9c: {  	[sflag:s28] =	ssyncset.done $0x0  }
0x9d: {  	[sflag:s28] =	ssyncadd.s32 $0xFFFFFF00  }
0x9e: {  	_ =	swait.ge [sflag:s7], $0x4000  }
0x9f: {  	[sflag:s7] =	ssyncset.done $0x0  }
0xa0: {  	[sflag:s7] =	ssyncadd.s32 $0xFFFFC000  }
0xa1: {  	[spmem:s3] =	stream.indirect.scatter.add.f32 [tilespmem:s4], [sflag:$0x7], $0x80, s30, s29, $0xb8;
	[tilespmem:$0x1FB80] =	vst v63  }
0xa2: {  	s9 =	sadd.s32 $0x2800, s8  }
0xa3: {  	[tilespmem:s31], [sflag:$0x3] =	stream.linear.gather [hbm4b:s9+s4], $0x4000, $0x38;
	[tilespmem:$0x1FB80] =	vst v63  }
0xa4: {  	s21 =	sadd.s32 $0x60, s21  }
0xa5: {  	[tilespmem:s2], [sflag:$0x6] =	stream.linear.gather [hbm4b:s21+s4], $0x100, $0x38;
	[tilespmem:$0x1FB80] =	vst v63  }
0xa6: {  	_ =	swait.ge [sflag:s15], $0x4000  }
0xa7: {  	[sflag:s15] =	ssyncset.done $0x0  }
0xa8: {  	[sflag:s15] =	ssyncadd.s32 $0xFFFFC000  }
0xa9: {  	_ =	swait.ge [sflag:s17], $0x100  }
0xaa: {  	[sflag:s17] =	ssyncset.done $0x0  }
0xab: {  	[sflag:s17] =	ssyncadd.s32 $0xFFFFFF00  }
0xac: {  	p2 =	sne.s32 s12, $0x24000;
	_ =	swait.ge [sflag:s18], $0x4000  }
.Ltmp2:
0xad: {  	[sflag:s18] =	ssyncset.done $0x0;
	(pc) =	sbr.rel @p2 .LBB2_2-.Ltmp2, $4  }
0xae: {  	s20 =	sadd.s32 $0x60, s20;
	[sflag:s18] =	ssyncadd.s32 $0xFFFFC000  }
0xaf: {  	[spmem:s3] =	stream.indirect.scatter.add.f32 [tilespmem:s24], [sflag:$0x8], $0x80, s16, s29, $0xb8;
	[tilespmem:$0x1FB80] =	vst v63  }
0xb0: {  	s12 =	sadd.s32 $0x1800, s12;
	s13 =	smov.u32 s20;
	s8 =	sadd.s32 $0x3000, s8  }
0xb1: {  	[tilespmem:s4], [sflag:$0x1] =	stream.linear.gather [hbm4b:s8+s4], $0x4000, $0x38;
	[tilespmem:$0x1FB80] =	vst v63  }
0xb2: {  	[tilespmem:s23], [sflag:$0x4] =	stream.linear.gather [hbm4b:s13+s4], $0x100, $0x38;
	[tilespmem:$0x1FB80] =	vst v63  }
0xb3: {  	_ =	swait.ge [sflag:s0], $0x4000  }
0xb4: {  	[sflag:s0] =	ssyncset.done $0x0  }
0xb5: {  	[sflag:s0] =	ssyncadd.s32 $0xFFFFC000  }
0xb6: {  	_ =	swait.ge [sflag:s1], $0x100  }
0xb7: {  	[sflag:s1] =	ssyncset.done $0x0  }
0xb8: {  	[sflag:s1] =	ssyncadd.s32 $0xFFFFFF00  }
0xb9: {  	_ =	swait.ge [sflag:s5], $0x4000  }
0xba: {  	[sflag:s5] =	ssyncset.done $0x0  }
0xbb: {  	[sflag:s5] =	ssyncadd.s32 $0xFFFFC000  }
0xbc: {  	[spmem:s3] =	stream.indirect.scatter.add.f32 [tilespmem:s31], [sflag:$0x9], $0x80, s6, s29, $0xb8;
	[tilespmem:$0x1FB80] =	vst v63  }
0xbd: {  	_ =	swait.ge [sflag:s26], $0x4000  }
.Ltmp3:
0xbe: {  	[sflag:s26] =	ssyncset.done $0x0;
	(pc) =	sbr.rel @p1 .LBB2_5-.Ltmp3, $4  }
0xbf: {  	[sflag:s26] =	ssyncadd.s32 $0xFFFFC000  }
0xc0: {  	_ =	swait.ge [sflag:s28], $0x100  }
0xc1: {  	[sflag:s28] =	ssyncset.done $0x0  }
0xc2: {  	[sflag:s28] =	ssyncadd.s32 $0xFFFFFF00  }
0xc3: {  	s8 =	rddreg [dreg:$0x13]  }
0xc4: {  	[tilespmem:s4], [sflag:$0x1] =	stream.linear.gather [hbm4b:s8+s4], $0x4000, $0x38;
	[tilespmem:$0x1FB80] =	vst v63  }
0xc5: {  	s22 =	rddreg [dreg:$0x14]  }
0xc6: {  	[tilespmem:s23], [sflag:$0x4] =	stream.linear.gather [hbm4b:s22+s4], $0x100, $0x38;
	[tilespmem:$0x1FB80] =	vst v63  }
0xc7: {  	_ =	swait.ge [sflag:s26], $0x4000  }
0xc8: {  	[sflag:s26] =	ssyncset.done $0x0  }
0xc9: {  	[sflag:s26] =	ssyncadd.s32 $0xFFFFC000  }
0xca: {  	_ =	swait.ge [sflag:s28], $0x100  }
0xcb: {  	[sflag:s28] =	ssyncset.done $0x0  }
0xcc: {  	[sflag:s28] =	ssyncadd.s32 $0xFFFFFF00  }
0xcd: {  	_ =	swait.ge [sflag:s7], $0x4000  }
0xce: {  	[sflag:s7] =	ssyncset.done $0x0  }
0xcf: {  	[sflag:s7] =	ssyncadd.s32 $0xFFFFC000  }
0xd0: {  	[spmem:s3] =	stream.indirect.scatter.add.f32 [tilespmem:s4], [sflag:$0x7], $0x80, s30, s29, $0xb8;
	[tilespmem:$0x1FB80] =	vst v63  }
.Ltmp4:
0xd1: {  	_ =	swait.ge [sflag:s18], $0x4000;
	(pc) =	sbr.rel .LBB2_6-.Ltmp4, $3  }
0xd2: {  	[sflag:s18] =	ssyncset.done $0x0  }
0xd3: {  	[sflag:s18] =	ssyncadd.s32 $0xFFFFC000  }
0xd4: {  	[bflag:$0x0] =	sbarrier.arrive $0xFFFF;
	_ =	sdelay $0x1  }
.LBB2_5:
.Ltmp5:
0xd5: {  	_ =	swait.ge [sflag:s7], $0x4000;
	(pc) =	sbr.rel @p0 .LBB2_7-.Ltmp5, $3  }
0xd6: {  	[sflag:s7] =	ssyncset.done $0x0  }
0xd7: {  	[sflag:s7] =	ssyncadd.s32 $0xFFFFC000  }
0xd8: {  	[bflag:$0x0] =	sbarrier.arrive $0xFFFF;
	_ =	sdelay $0x1  }
.LBB2_6:
0xd9: {  	s8 =	stileid.u32;
	s9 =	rddreg [dreg:$0xb]  }
0xda: {  	s12 =	rddreg [dreg:$0x12];
	s22 =	simm.s32 $0xA;
	s8 =	sshll.u32 s8, $0x6  }
.Ltmp6:
0xdb: {  	s9 =	sshrl.u32 s9, $0x3;
	s8 =	sor.u32 $0x1C0A, s8;
	(pc) =	sbr.rel .LBB2_8-.Ltmp6, $4  }
0xdc: {  	[hbm:s12], [sflag:s8] =	dma.local [spmem:s9], $0x2700  }
0xdd: {  	_ =	swait.ge [sflag:s22], $0x2700  }
0xde: {  	[sflag:s22] =	ssyncset.done $0x0  }
0xdf: {  	[sflag:s22] =	ssyncadd.s32 $0xFFFFD900  }
.LBB2_9:
0xe0: {  	_ =	sfence.sel $0x180000  }
0xe1: {  	[bflag:$0x0] =	sbarrier.arrive $0xFFFF  }
0xe2: {  	_ =	strace $0x90000047  }
0xe3: {  	s0 =	stileid.u32;
	[bflag:$0x2] =	sbarrier.arrive $0xFFFF  }
0xe4: {  	p0 =	sne.s32 s0, $0x0;
	s0 =	rddreg [dreg:$0x5]  }
0xe5: {  	s0 =	sadd.s32 @!p0 $0x100000, s0  }
0xe6: {  	[sflag:s0] =	ssyncadd.tile.s32 @!p0 $0x1;
	_ =	shalt  }
.Lfunc_end2:
_tile_overlayer_lowered:
.L_overlay_start_2:
0xe7: {  	(tag) =	ssettag $0x2  }
0xe8: {  	s0 =	rddreg [dreg:$0x0];
	s2 =	stileid.u32  }
0xe9: {  	s1 =	rddreg [dreg:$0x1];
	p0 =	sne.s32 s2, $0x0  }
0xea: {  	s3 =	rddreg [dreg:$0x2];
	[bflag:$0x3] =	sbarrier.arrive $0xFFFF;
	s2 =	simm.s32 @!p0 $0x1C0A  }
0xeb: {  	[timem:s3], [sflag:s2] =	dma.local @!p0 [hbm:s0], s1  }
0xec: {  	s0 =	simm.s32 @!p0 $0xA  }
0xed: {  	_ =	swait.ge @!p0 [sflag:s0], s1  }
0xee: {  	s1 =	ssub.s32 @!p0 $0x0, s1;
	[sflag:s0] =	ssyncset.done @!p0 $0x0  }
0xef: {  	[sflag:s0] =	ssyncadd.s32 @!p0 s1  }
0xf0: {  	[bflag:$0x3] =	sbarrier.arrive $0xFFFF  }
0xf1: {  	_ =	shalt  }

</sc_bundles>
